<compile_context>
chip_gen: v7x
topology: tpu7x:2x2x1
jax: 0.10.2.dev20260603
libtpu: 0.0.44.dev20260713+nightly
codegen_flags: <defaults>
</compile_context>

<pallas_src>
import functools

import numpy as np
import jax
import jax.numpy as jnp
from jax import lax
from jax.experimental import pallas as pl
from jax.experimental.pallas import tpu as pltpu
from jax.experimental.pallas import tpu_sc as plsc

_NUM_JOKERS = 150
_EPS = 1e-5


def _prep_body(emb_ref, pos_ref, gam_ref, bet_ref, boss_ref, act_ref,
               jid_ref, f_ref, idx_ref):
    ni = emb_ref.shape[0]
    mm = pos_ref.shape[0]
    d = emb_ref.shape[1]
    emb = emb_ref[...]
    row = lax.broadcasted_iota(jnp.int32, (ni, d), 0)
    emb = jnp.where(row == 0, 0.0, emb)
    x = emb[None, :, :] + pos_ref[...][:, None, :]
    mu = jnp.mean(x, axis=-1, keepdims=True)
    xc = x - mu
    var = jnp.mean(xc * xc, axis=-1, keepdims=True)
    y = xc * lax.rsqrt(var + _EPS)
    f_ref[...] = y * gam_ref[...][None, :, :] + bet_ref[...][None, :, :]

    act = act_ref[...] != 0
    boss = boss_ref[...] + _NUM_JOKERS
    j = jid_ref[...]
    i0 = jnp.where(act, boss, j[0])[None]
    imid = jnp.where(act[None], j[0:mm - 2], j[1:mm - 1])
    i10 = jnp.where(act, j[mm - 2], 0)[None]
    idx = jnp.concatenate([i0, imid, i10], axis=0)
    poff = lax.broadcasted_iota(jnp.int32, idx.shape, 0) * ni
    idx_ref[...] = idx + poff


def _prep(emb_table, pos_table, ln_gamma, ln_beta, boss2, act2, jt,
          interpret=False):
    ni, d = emb_table.shape
    mm = pos_table.shape[0]
    r = boss2.shape[0]
    return pl.pallas_call(
        _prep_body,
        out_shape=[
            jax.ShapeDtypeStruct((mm, ni, d), jnp.float32),
            jax.ShapeDtypeStruct((mm, r, 128), jnp.int32),
        ],
        interpret=interpret,
    )(emb_table, pos_table, ln_gamma.reshape(1, d), ln_beta.reshape(1, d),
      boss2, act2, jt)


_MBLK = 1024


def _mask_body(actn_ref, empn_ref, msk_ref):
    mm = msk_ref.shape[1]
    actn = actn_ref[...]
    actb = actn != 0
    real = (empn_ref[...] == 0).astype(jnp.int32)
    m0 = actn | real[:, 0:1]
    mmid = jnp.where(actb, real[:, 0:mm - 2], real[:, 1:mm - 1])
    m10 = actn & real[:, mm - 2:mm - 1]
    rest = jnp.concatenate([mmid, m10], axis=1)
    rest_any = jnp.max(rest, axis=1, keepdims=True)
    m0 = m0 | (1 - rest_any)
    msk_ref[...] = jnp.concatenate([m0, mmid, m10], axis=1)


def _mask(actn, empn, interpret=False):
    bb, nj = empn.shape
    mm = nj + 1
    return pl.pallas_call(
        _mask_body,
        grid=(bb // _MBLK,),
        in_specs=[
            pl.BlockSpec((_MBLK, 1), lambda i: (i, 0)),
            pl.BlockSpec((_MBLK, nj), lambda i: (i, 0)),
        ],
        out_specs=pl.BlockSpec((_MBLK, mm), lambda i: (i, 0)),
        out_shape=jax.ShapeDtypeStruct((bb, mm), jnp.int32),
        interpret=interpret,
    )(actn, empn)


_NBUF = 2
_CHUNK = 128


def _sc_gather_scatter(table, idx1, dst2):
    n_rows = idx1.shape[0]
    d = table.shape[1]
    info = plsc.get_sparse_core_info()
    nw = info.num_cores * info.num_subcores
    rows_per_w = n_rows // nw
    slabs_per_w = rows_per_w // _CHUNK
    stage = ((slabs_per_w + 7) // 8) * 8 + 8
    stage = min(stage, dst2.shape[0])
    mesh = plsc.VectorSubcoreMesh(core_axis_name="c", subcore_axis_name="s")

    @functools.partial(
        pl.kernel,
        out_type=jax.ShapeDtypeStruct((n_rows, d), jnp.float32),
        mesh=mesh,
        scratch_types=[
            pltpu.VMEM((rows_per_w,), jnp.int32),
            pltpu.VMEM((stage, _CHUNK), jnp.int32),
        ] + [pltpu.VMEM((_CHUNK, d), jnp.float32)] * _NBUF
          + [pltpu.SemaphoreType.DMA] * (2 * _NBUF),
    )
    def k(table_hbm, idx_hbm, dst_hbm, out_hbm, idx_v, dst_v, *rest):
        bufs = rest[:_NBUF]
        gsems = rest[_NBUF:2 * _NBUF]
        osems = rest[2 * _NBUF:]
        wid = lax.axis_index("s") * info.num_cores + lax.axis_index("c")
        base = wid * slabs_per_w
        a0 = pl.multiple_of((base // 8) * 8, 8)
        a0 = jnp.minimum(a0, dst2.shape[0] - stage)
        a0 = pl.multiple_of(a0, 8)
        off = base - a0
        pltpu.sync_copy(
            idx_hbm.at[pl.ds(pl.multiple_of(wid * rows_per_w, 8),
                             rows_per_w)], idx_v)
        pltpu.sync_copy(dst_hbm.at[pl.ds(a0, stage)], dst_v)

        def gather(s, b):
            pltpu.async_copy(
                table_hbm.at[idx_v.at[pl.ds(s * _CHUNK, _CHUNK)]],
                bufs[b], gsems[b])

        def gwait(s, b):
            pltpu.make_async_copy(
                table_hbm.at[idx_v.at[pl.ds(s * _CHUNK, _CHUNK)]],
                bufs[b], gsems[b]).wait()

        for b in range(_NBUF):
            gather(b, b)

        def wave(w, carry):
            for b in range(_NBUF):
                s = w * _NBUF + b
                gwait(s, b)
                pltpu.async_copy(bufs[b], out_hbm.at[dst_v.at[off + s]],
                                 osems[b])
            for b in range(_NBUF):
                s = w * _NBUF + b
                pltpu.make_async_copy(bufs[b], out_hbm.at[dst_v.at[off + s]],
                                      osems[b]).wait()
                ns = s + _NBUF

                @pl.when(ns < slabs_per_w)
                def _():
                    gather(ns, b)
            return carry

        lax.fori_loop(0, slabs_per_w // _NBUF, wave, 0)

    return k(table, idx1, dst2)


def kernel(boss_id, boss_is_active, joker_ids, joker_is_empty,
           emb_table, pos_table, ln_gamma, ln_beta):
    b = boss_id.shape[0]
    ni, d = emb_table.shape
    mm = joker_ids.shape[1] + 1
    r = b // 128

    boss2 = boss_id.astype(jnp.int32).reshape(r, 128)
    act2 = boss_is_active.astype(jnp.int32).reshape(r, 128)
    jt = joker_ids.astype(jnp.int32).T.reshape(mm - 1, r, 128)
    actn = boss_is_active.astype(jnp.int32).reshape(b, 1)
    empn = joker_is_empty.astype(jnp.int32)

    f, idx_t = _prep(emb_table, pos_table, ln_gamma, ln_beta,
                     boss2, act2, jt)
    msk = _mask(actn, empn)

    table = f.reshape(mm * ni, d)
    idx_flat = idx_t.reshape(mm * b)
    mask = msk.astype(bool)

    q = np.arange(mm * b, dtype=np.int64)
    dst = ((q % b) * mm + q // b).astype(np.int32).reshape(mm * b // _CHUNK,
                                                           _CHUNK)
    out = _sc_gather_scatter(table, idx_flat, jnp.asarray(dst))
    return out.reshape(b, mm, d), mask

# --- scband reference (transcript-rebuilt; emitter-appended) ---
"""Pipeline reference for scband-modifier-embedding-1838246003103 (READ-ONLY COPY).

The authoritative reference and input builder live on the scoring server;
editing this copy changes nothing except your own understanding.
"""

import jax, jax.numpy as jnp
import numpy as np

B = 16384
D = 128
NUM_JOKERS = 150
NUM_BOSS = 28
NUM_IDS = NUM_JOKERS + NUM_BOSS + 1  # 179
MAX_MODS = 11


def setup_inputs(seed: int = 0) -> dict:
    key = jax.random.key(seed)
    k1, k2, k3, k4, k5, k6 = jax.random.split(key, 6)
    boss_id = jax.random.randint(k1, (B,), 0, NUM_BOSS, dtype=jnp.int64 if jax.config.jax_enable_x64 else jnp.int32)
    boss_is_active = jax.random.randint(k2, (B,), 0, 2, dtype=jnp.int32)
    joker_ids = jax.random.randint(k3, (B, 10), 0, NUM_JOKERS + 1, dtype=jnp.int32)
    joker_is_empty = jax.random.randint(k4, (B, 10), 0, 2, dtype=jnp.int32)
    emb_table = jax.random.normal(k5, (NUM_IDS, D), dtype=jnp.float32) * 0.02
    emb_table = emb_table.at[0].set(0.0)  # padding_idx=0
    pos_table = jax.random.normal(k6, (MAX_MODS, D), dtype=jnp.float32) * 0.02
    ln_gamma = jnp.ones((D,), dtype=jnp.float32)
    ln_beta = jnp.zeros((D,), dtype=jnp.float32)
    return {
        'boss_id': boss_id,
        'boss_is_active': boss_is_active,
        'joker_ids': joker_ids,
        'joker_is_empty': joker_is_empty,
        'emb_table': emb_table,
        'pos_table': pos_table,
        'ln_gamma': ln_gamma,
        'ln_beta': ln_beta,
    }


def _layernorm(x, gamma, beta, eps=1e-5):
    mu = jnp.mean(x, axis=-1, keepdims=True)
    var = jnp.mean((x - mu) ** 2, axis=-1, keepdims=True)
    xhat = (x - mu) / jnp.sqrt(var + eps)
    return xhat * gamma + beta


def reference(boss_id, boss_is_active, joker_ids, joker_is_empty, emb_table, pos_table, ln_gamma, ln_beta):
    b = boss_id.shape[0]
    has_boss = boss_is_active.astype(bool)
    boss_as_mod = (boss_id.astype(jnp.int32) + NUM_JOKERS)[:, None]
    jids = joker_ids.astype(jnp.int32)
    pad = jnp.zeros((b, 1), dtype=jnp.int32)
    mod_ids = jnp.where(has_boss[:, None],
                        jnp.concatenate([boss_as_mod, jids], axis=1),
                        jnp.concatenate([jids, pad], axis=1))
    # emulate padding_idx=0: row 0 forced to zero
    emb_eff = emb_table.at[0].set(jnp.zeros((emb_table.shape[1],), dtype=emb_table.dtype))
    pos = jnp.take(pos_table, jnp.arange(MAX_MODS), axis=0)
    gathered = jnp.take(emb_eff, mod_ids, axis=0)  # (B, 11, D)
    mod_seq = _layernorm(gathered + pos[None, :, :], ln_gamma, ln_beta)
    joker_real = joker_is_empty.astype(jnp.int32) == 0
    ones_col = jnp.ones((b, 1), dtype=bool)
    zeros_col = jnp.zeros((b, 1), dtype=bool)
    mod_mask = jnp.where(has_boss[:, None],
                         jnp.concatenate([ones_col, joker_real], axis=1),
                         jnp.concatenate([joker_real, zeros_col], axis=1))
    no_mod = ~jnp.any(mod_mask, axis=1)
    mod_mask = mod_mask.at[:, 0].set(mod_mask[:, 0] | no_mod)
    return mod_seq, mod_mask

if __name__ == "__main__":
    import jax
    _d = setup_inputs()
    print(jax.jit(kernel)(*tuple(_d.values())))

</pallas_src>

<mosaic_0001>
#map = affine_map<(d0, d1) -> (0, 0)>
#map1 = affine_map<(d0, d1) -> (0)>
module attributes {stable_mosaic.version = 14 : i64} {
  func.func @k(%arg0: i32, %arg1: i32, %arg2: memref<1969x128xf32, #tpu.memory_space<hbm>>, %arg3: memref<180224xi32, #tpu.memory_space<hbm>>, %arg4: memref<1408x128xi32, #tpu.memory_space<hbm>>, %arg5: memref<180224x128xf32, #tpu.memory_space<hbm>>, %arg6: memref<5632xi32, #tpu.memory_space<vmem>>, %arg7: memref<56x128xi32, #tpu.memory_space<vmem>>, %arg8: memref<128x128xf32, #tpu.memory_space<vmem>>, %arg9: memref<128x128xf32, #tpu.memory_space<vmem>>, %arg10: memref<!tpu.dma_semaphore, #tpu.memory_space<semaphore_mem>>, %arg11: memref<!tpu.dma_semaphore, #tpu.memory_space<semaphore_mem>>, %arg12: memref<!tpu.dma_semaphore, #tpu.memory_space<semaphore_mem>>, %arg13: memref<!tpu.dma_semaphore, #tpu.memory_space<semaphore_mem>>) attributes {dimension_semantics = [#tpu.dimension_semantics<core_parallel>, #tpu.dimension_semantics<subcore_parallel>], iteration_bounds = array<i64: 2, 16>, scalar_prefetch = 0 : i64, scratch_operands = 8 : i64, tpu.core_type = #tpu.core_type<sc_vector_subcore>, window_params = [{transform_indices = #map}, {transform_indices = #map1}, {transform_indices = #map}, {transform_indices = #map}]} {
    %mul3A = arith.constant 2 : i32
    %mul3A_0 = arith.muli %arg1, %mul3A : i32
    %add3A = arith.addi %mul3A_0, %arg0 : i32
    %mul3A_1 = arith.constant 44 : i32
    %mul3A_2 = arith.muli %add3A, %mul3A_1 : i32
    %jit3A = arith.constant 8 : i32
    %div3A = arith.divsi %mul3A_2, %jit3A : i32
    %sign3A = arith.constant 0 : i32
    %sign3A_3 = arith.cmpi sgt, %mul3A_2, %sign3A : i32
    %sign3A_4 = arith.extui %sign3A_3 : i1 to i32
    %sign3A_5 = arith.constant 0 : i32
    %sign3A_6 = arith.cmpi slt, %mul3A_2, %sign3A_5 : i32
    %sign3A_7 = arith.extui %sign3A_6 : i1 to i32
    %sign3A_8 = arith.subi %sign3A_4, %sign3A_7 : i32
    %sign3A_9 = arith.constant 0 : i32
    %sign3A_10 = arith.cmpi sgt, %jit3A, %sign3A_9 : i32
    %sign3A_11 = arith.extui %sign3A_10 : i1 to i32
    %sign3A_12 = arith.constant 0 : i32
    %sign3A_13 = arith.cmpi slt, %jit3A, %sign3A_12 : i32
    %sign3A_14 = arith.extui %sign3A_13 : i1 to i32
    %sign3A_15 = arith.subi %sign3A_11, %sign3A_14 : i32
    %ne3A = arith.cmpi ne, %sign3A_8, %sign3A_15 : i32
    %rem3A = arith.remsi %mul3A_2, %jit3A : i32
    %ne3A_16 = arith.constant 0 : i32
    %ne3A_17 = arith.cmpi ne, %rem3A, %ne3A_16 : i32
    %and3A = arith.andi %ne3A, %ne3A_17 : i1
    %sub3A = arith.constant 1 : i32
    %sub3A_18 = arith.subi %div3A, %sub3A : i32
    %select_n3A = arith.select %and3A, %sub3A_18, %div3A : i32
    %mul3A_19 = arith.constant 8 : i32
    %mul3A_20 = arith.muli %select_n3A, %mul3A_19 : i32
    %multiple_of3A = tpu.assume_multiple %mul3A_20, 8 : i32
    %min3A = arith.constant 1352 : i32
    %min3A_21 = arith.minsi %multiple_of3A, %min3A : i32
    %multiple_of3A_22 = tpu.assume_multiple %min3A_21, 8 : i32
    %sub3A_23 = arith.subi %mul3A_2, %multiple_of3A_22 : i32
    %mul3A_24 = arith.constant 5632 : i32
    %mul3A_25 = arith.muli %add3A, %mul3A_24 : i32
    %multiple_of3A_26 = tpu.assume_multiple %mul3A_25, 8 : i32
    "tpu.region"() ({
      %run_scoped3A = tpu.sem_alloc : memref<!tpu.dma_semaphore, #tpu.memory_space<semaphore_mem>>
      %dma_start3A_41 = tpu.memref_slice %arg3[%multiple_of3A_26] : memref<180224xi32, #tpu.memory_space<hbm>> -> memref<5632xi32, #tpu.memory_space<hbm>>
      %dma_start3A_42 = tpu.memref_slice %arg3[%multiple_of3A_26] : memref<180224xi32, #tpu.memory_space<hbm>> -> memref<5632xi32, #tpu.memory_space<hbm>>
      tpu.enqueue_dma source(%dma_start3A_42 : memref<5632xi32, #tpu.memory_space<hbm>>) target(%arg6 : memref<5632xi32, #tpu.memory_space<vmem>>) target_semaphore(%run_scoped3A : memref<!tpu.dma_semaphore, #tpu.memory_space<semaphore_mem>>)
      %dma_wait3A = tpu.memref_slice %arg3[%multiple_of3A_26] : memref<180224xi32, #tpu.memory_space<hbm>> -> memref<5632xi32, #tpu.memory_space<hbm>>
      %dma_wait3A_43 = tpu.memref_slice %arg3[%multiple_of3A_26] : memref<180224xi32, #tpu.memory_space<hbm>> -> memref<5632xi32, #tpu.memory_space<hbm>>
      tpu.wait_dma2 semaphore(%run_scoped3A : memref<!tpu.dma_semaphore, #tpu.memory_space<semaphore_mem>>) src(%dma_wait3A_43 : memref<5632xi32, #tpu.memory_space<hbm>>) dst(%arg6 : memref<5632xi32, #tpu.memory_space<vmem>>)
      tpu.yield
    }) : () -> ()
    "tpu.region"() ({
      %run_scoped3A = tpu.sem_alloc : memref<!tpu.dma_semaphore, #tpu.memory_space<semaphore_mem>>
      %dma_start3A_41 = arith.constant 0 : i32
      %dma_start3A_42 = tpu.memref_slice %arg4[%multiple_of3A_22, %dma_start3A_41] : memref<1408x128xi32, #tpu.memory_space<hbm>> -> memref<56x128xi32, #tpu.memory_space<hbm>>
      %dma_start3A_43 = arith.constant 0 : i32
      %dma_start3A_44 = tpu.memref_slice %arg4[%multiple_of3A_22, %dma_start3A_43] : memref<1408x128xi32, #tpu.memory_space<hbm>> -> memref<56x128xi32, #tpu.memory_space<hbm>>
      tpu.enqueue_dma source(%dma_start3A_44 : memref<56x128xi32, #tpu.memory_space<hbm>>) target(%arg7 : memref<56x128xi32, #tpu.memory_space<vmem>>) target_semaphore(%run_scoped3A : memref<!tpu.dma_semaphore, #tpu.memory_space<semaphore_mem>>)
      %dma_wait3A = arith.constant 0 : i32
      %dma_wait3A_45 = tpu.memref_slice %arg4[%multiple_of3A_22, %dma_wait3A] : memref<1408x128xi32, #tpu.memory_space<hbm>> -> memref<56x128xi32, #tpu.memory_space<hbm>>
      %dma_wait3A_46 = arith.constant 0 : i32
      %dma_wait3A_47 = tpu.memref_slice %arg4[%multiple_of3A_22, %dma_wait3A_46] : memref<1408x128xi32, #tpu.memory_space<hbm>> -> memref<56x128xi32, #tpu.memory_space<hbm>>
      tpu.wait_dma2 semaphore(%run_scoped3A : memref<!tpu.dma_semaphore, #tpu.memory_space<semaphore_mem>>) src(%dma_wait3A_47 : memref<56x128xi32, #tpu.memory_space<hbm>>) dst(%arg7 : memref<56x128xi32, #tpu.memory_space<vmem>>)
      tpu.yield
    }) : () -> ()
    %dma_start3A = arith.constant 0 : i32
    %dma_start3A_27 = tpu.memref_slice %arg6[%dma_start3A] : memref<5632xi32, #tpu.memory_space<vmem>> -> memref<128xi32, #tpu.memory_space<vmem>>
    %dma_start3A_28 = arith.constant 0 : i32
    %dma_start3A_29 = arith.constant 0 : i32
    %dma_start3A_30 = tpu.memref_slice %arg2[%dma_start3A_28, %dma_start3A_29] : memref<1969x128xf32, #tpu.memory_space<hbm>> -> memref<1969x128xf32, #tpu.memory_space<hbm>>
    tpu.enqueue_indirect_dma source(%dma_start3A_30 : memref<1969x128xf32, #tpu.memory_space<hbm>>) target(%arg8 : memref<128x128xf32, #tpu.memory_space<vmem>>) offsets(%dma_start3A_27 : memref<128xi32, #tpu.memory_space<vmem>>) semaphore(%arg10 : memref<!tpu.dma_semaphore, #tpu.memory_space<semaphore_mem>>)
    %dma_start3A_31 = arith.constant 128 : i32
    %dma_start3A_32 = tpu.memref_slice %arg6[%dma_start3A_31] : memref<5632xi32, #tpu.memory_space<vmem>> -> memref<128xi32, #tpu.memory_space<vmem>>
    %dma_start3A_33 = arith.constant 0 : i32
    %dma_start3A_34 = arith.constant 0 : i32
    %dma_start3A_35 = tpu.memref_slice %arg2[%dma_start3A_33, %dma_start3A_34] : memref<1969x128xf32, #tpu.memory_space<hbm>> -> memref<1969x128xf32, #tpu.memory_space<hbm>>
    tpu.enqueue_indirect_dma source(%dma_start3A_35 : memref<1969x128xf32, #tpu.memory_space<hbm>>) target(%arg9 : memref<128x128xf32, #tpu.memory_space<vmem>>) offsets(%dma_start3A_32 : memref<128xi32, #tpu.memory_space<vmem>>) semaphore(%arg11 : memref<!tpu.dma_semaphore, #tpu.memory_space<semaphore_mem>>)
    %scan3A = arith.constant 0 : i32
    %scan3A_36 = arith.constant 0 : i32
    %scan3A_37 = arith.constant 22 : i32
    %scan3A_38 = arith.addi %scan3A_36, %scan3A_37 : i32
    %scan3A_39 = arith.constant 1 : i32
    scf.for %scan3A_41 = %scan3A_36 to %scan3A_38 step %scan3A_39  : i32 {
      %mul3A_42 = arith.constant 2 : i32
      %mul3A_43 = arith.muli %scan3A_41, %mul3A_42 : i32
      %add3A_44 = arith.constant 0 : i32
      %add3A_45 = arith.addi %mul3A_43, %add3A_44 : i32
      %mul3A_46 = arith.constant 128 : i32
      %mul3A_47 = arith.muli %add3A_45, %mul3A_46 : i32
      %dma_wait3A = tpu.memref_slice %arg6[%mul3A_47] : memref<5632xi32, #tpu.memory_space<vmem>> -> memref<128xi32, #tpu.memory_space<vmem>>
      %dma_wait3A_48 = arith.constant 0 : i32
      %dma_wait3A_49 = arith.constant 0 : i32
      %dma_wait3A_50 = tpu.memref_slice %arg2[%dma_wait3A_48, %dma_wait3A_49] : memref<1969x128xf32, #tpu.memory_space<hbm>> -> memref<1969x128xf32, #tpu.memory_space<hbm>>
      tpu.wait_indirect_dma semaphore(%arg10 : memref<!tpu.dma_semaphore, #tpu.memory_space<semaphore_mem>>) src(%dma_wait3A_50 : memref<1969x128xf32, #tpu.memory_space<hbm>>) dst(%arg8 : memref<128x128xf32, #tpu.memory_space<vmem>>)
      %add3A_51 = arith.addi %sub3A_23, %add3A_45 : i32
      %dma_start3A_52 = arith.constant 0 : i32
      %dma_start3A_53 = tpu.memref_slice %arg7[%add3A_51, %dma_start3A_52] : memref<56x128xi32, #tpu.memory_space<vmem>> -> memref<1x128xi32, #tpu.memory_space<vmem>>
      %dma_start3A_54 = tpu.memref_squeeze %dma_start3A_53 : memref<1x128xi32, #tpu.memory_space<vmem>> -> memref<128xi32, #tpu.memory_space<vmem>>
      %dma_start3A_55 = arith.constant 0 : i32
      %dma_start3A_56 = arith.constant 0 : i32
      %dma_start3A_57 = tpu.memref_slice %arg5[%dma_start3A_55, %dma_start3A_56] : memref<180224x128xf32, #tpu.memory_space<hbm>> -> memref<180224x128xf32, #tpu.memory_space<hbm>>
      tpu.enqueue_indirect_dma source(%arg8 : memref<128x128xf32, #tpu.memory_space<vmem>>) target(%dma_start3A_57 : memref<180224x128xf32, #tpu.memory_space<hbm>>) offsets(%dma_start3A_54 : memref<128xi32, #tpu.memory_space<vmem>>) semaphore(%arg12 : memref<!tpu.dma_semaphore, #tpu.memory_space<semaphore_mem>>)
      %mul3A_58 = arith.constant 2 : i32
      %mul3A_59 = arith.muli %scan3A_41, %mul3A_58 : i32
      %add3A_60 = arith.constant 1 : i32
      %add3A_61 = arith.addi %mul3A_59, %add3A_60 : i32
      %mul3A_62 = arith.constant 128 : i32
      %mul3A_63 = arith.muli %add3A_61, %mul3A_62 : i32
      %dma_wait3A_64 = tpu.memref_slice %arg6[%mul3A_63] : memref<5632xi32, #tpu.memory_space<vmem>> -> memref<128xi32, #tpu.memory_space<vmem>>
      %dma_wait3A_65 = arith.constant 0 : i32
      %dma_wait3A_66 = arith.constant 0 : i32
      %dma_wait3A_67 = tpu.memref_slice %arg2[%dma_wait3A_65, %dma_wait3A_66] : memref<1969x128xf32, #tpu.memory_space<hbm>> -> memref<1969x128xf32, #tpu.memory_space<hbm>>
      tpu.wait_indirect_dma semaphore(%arg11 : memref<!tpu.dma_semaphore, #tpu.memory_space<semaphore_mem>>) src(%dma_wait3A_67 : memref<1969x128xf32, #tpu.memory_space<hbm>>) dst(%arg9 : memref<128x128xf32, #tpu.memory_space<vmem>>)
      %add3A_68 = arith.addi %sub3A_23, %add3A_61 : i32
      %dma_start3A_69 = arith.constant 0 : i32
      %dma_start3A_70 = tpu.memref_slice %arg7[%add3A_68, %dma_start3A_69] : memref<56x128xi32, #tpu.memory_space<vmem>> -> memref<1x128xi32, #tpu.memory_space<vmem>>
      %dma_start3A_71 = tpu.memref_squeeze %dma_start3A_70 : memref<1x128xi32, #tpu.memory_space<vmem>> -> memref<128xi32, #tpu.memory_space<vmem>>
      %dma_start3A_72 = arith.constant 0 : i32
      %dma_start3A_73 = arith.constant 0 : i32
      %dma_start3A_74 = tpu.memref_slice %arg5[%dma_start3A_72, %dma_start3A_73] : memref<180224x128xf32, #tpu.memory_space<hbm>> -> memref<180224x128xf32, #tpu.memory_space<hbm>>
      tpu.enqueue_indirect_dma source(%arg9 : memref<128x128xf32, #tpu.memory_space<vmem>>) target(%dma_start3A_74 : memref<180224x128xf32, #tpu.memory_space<hbm>>) offsets(%dma_start3A_71 : memref<128xi32, #tpu.memory_space<vmem>>) semaphore(%arg13 : memref<!tpu.dma_semaphore, #tpu.memory_space<semaphore_mem>>)
      %mul3A_75 = arith.constant 2 : i32
      %mul3A_76 = arith.muli %scan3A_41, %mul3A_75 : i32
      %add3A_77 = arith.constant 0 : i32
      %add3A_78 = arith.addi %mul3A_76, %add3A_77 : i32
      %add3A_79 = arith.addi %sub3A_23, %add3A_78 : i32
      %dma_wait3A_80 = arith.constant 0 : i32
      %dma_wait3A_81 = tpu.memref_slice %arg7[%add3A_79, %dma_wait3A_80] : memref<56x128xi32, #tpu.memory_space<vmem>> -> memref<1x128xi32, #tpu.memory_space<vmem>>
      %dma_wait3A_82 = tpu.memref_squeeze %dma_wait3A_81 : memref<1x128xi32, #tpu.memory_space<vmem>> -> memref<128xi32, #tpu.memory_space<vmem>>
      %dma_wait3A_83 = arith.constant 0 : i32
      %dma_wait3A_84 = arith.constant 0 : i32
      %dma_wait3A_85 = tpu.memref_slice %arg5[%dma_wait3A_83, %dma_wait3A_84] : memref<180224x128xf32, #tpu.memory_space<hbm>> -> memref<180224x128xf32, #tpu.memory_space<hbm>>
      tpu.wait_indirect_dma semaphore(%arg12 : memref<!tpu.dma_semaphore, #tpu.memory_space<semaphore_mem>>) src(%arg8 : memref<128x128xf32, #tpu.memory_space<vmem>>) dst(%dma_wait3A_85 : memref<180224x128xf32, #tpu.memory_space<hbm>>)
      %add3A_86 = arith.constant 2 : i32
      %add3A_87 = arith.addi %add3A_78, %add3A_86 : i32
      %lt3A = arith.constant 44 : i32
      %lt3A_88 = arith.cmpi slt, %add3A_87, %lt3A : i32
      %convert_element_type3A = arith.extui %lt3A_88 : i1 to i32
      %cond3A = arith.constant 0 : i32
      %cond3A_89 = arith.cmpi ne, %convert_element_type3A, %cond3A : i32
      scf.if %cond3A_89 {
        %mul3A_108 = arith.constant 128 : i32
        %mul3A_109 = arith.muli %add3A_87, %mul3A_108 : i32
        %dma_start3A_110 = tpu.memref_slice %arg6[%mul3A_109] : memref<5632xi32, #tpu.memory_space<vmem>> -> memref<128xi32, #tpu.memory_space<vmem>>
        %dma_start3A_111 = arith.constant 0 : i32
        %dma_start3A_112 = arith.constant 0 : i32
        %dma_start3A_113 = tpu.memref_slice %arg2[%dma_start3A_111, %dma_start3A_112] : memref<1969x128xf32, #tpu.memory_space<hbm>> -> memref<1969x128xf32, #tpu.memory_space<hbm>>
        tpu.enqueue_indirect_dma source(%dma_start3A_113 : memref<1969x128xf32, #tpu.memory_space<hbm>>) target(%arg8 : memref<128x128xf32, #tpu.memory_space<vmem>>) offsets(%dma_start3A_110 : memref<128xi32, #tpu.memory_space<vmem>>) semaphore(%arg10 : memref<!tpu.dma_semaphore, #tpu.memory_space<semaphore_mem>>)
      } else {
      }
      %mul3A_90 = arith.constant 2 : i32
      %mul3A_91 = arith.muli %scan3A_41, %mul3A_90 : i32
      %add3A_92 = arith.constant 1 : i32
      %add3A_93 = arith.addi %mul3A_91, %add3A_92 : i32
      %add3A_94 = arith.addi %sub3A_23, %add3A_93 : i32
      %dma_wait3A_95 = arith.constant 0 : i32
      %dma_wait3A_96 = tpu.memref_slice %arg7[%add3A_94, %dma_wait3A_95] : memref<56x128xi32, #tpu.memory_space<vmem>> -> memref<1x128xi32, #tpu.memory_space<vmem>>
      %dma_wait3A_97 = tpu.memref_squeeze %dma_wait3A_96 : memref<1x128xi32, #tpu.memory_space<vmem>> -> memref<128xi32, #tpu.memory_space<vmem>>
      %dma_wait3A_98 = arith.constant 0 : i32
      %dma_wait3A_99 = arith.constant 0 : i32
      %dma_wait3A_100 = tpu.memref_slice %arg5[%dma_wait3A_98, %dma_wait3A_99] : memref<180224x128xf32, #tpu.memory_space<hbm>> -> memref<180224x128xf32, #tpu.memory_space<hbm>>
      tpu.wait_indirect_dma semaphore(%arg13 : memref<!tpu.dma_semaphore, #tpu.memory_space<semaphore_mem>>) src(%arg9 : memref<128x128xf32, #tpu.memory_space<vmem>>) dst(%dma_wait3A_100 : memref<180224x128xf32, #tpu.memory_space<hbm>>)
      %add3A_101 = arith.constant 2 : i32
      %add3A_102 = arith.addi %add3A_93, %add3A_101 : i32
      %lt3A_103 = arith.constant 44 : i32
      %lt3A_104 = arith.cmpi slt, %add3A_102, %lt3A_103 : i32
      %convert_element_type3A_105 = arith.extui %lt3A_104 : i1 to i32
      %cond3A_106 = arith.constant 0 : i32
      %cond3A_107 = arith.cmpi ne, %convert_element_type3A_105, %cond3A_106 : i32
      scf.if %cond3A_107 {
        %mul3A_108 = arith.constant 128 : i32
        %mul3A_109 = arith.muli %add3A_102, %mul3A_108 : i32
        %dma_start3A_110 = tpu.memref_slice %arg6[%mul3A_109] : memref<5632xi32, #tpu.memory_space<vmem>> -> memref<128xi32, #tpu.memory_space<vmem>>
        %dma_start3A_111 = arith.constant 0 : i32
        %dma_start3A_112 = arith.constant 0 : i32
        %dma_start3A_113 = tpu.memref_slice %arg2[%dma_start3A_111, %dma_start3A_112] : memref<1969x128xf32, #tpu.memory_space<hbm>> -> memref<1969x128xf32, #tpu.memory_space<hbm>>
        tpu.enqueue_indirect_dma source(%dma_start3A_113 : memref<1969x128xf32, #tpu.memory_space<hbm>>) target(%arg9 : memref<128x128xf32, #tpu.memory_space<vmem>>) offsets(%dma_start3A_110 : memref<128xi32, #tpu.memory_space<vmem>>) semaphore(%arg11 : memref<!tpu.dma_semaphore, #tpu.memory_space<semaphore_mem>>)
      } else {
      }
    }
    %scan3A_40 = arith.constant 22 : i32
    return
  }
}

module attributes {stable_mosaic.version = 14 : i64} {
  func.func @_prep_body(%arg0: memref<179x128xf32, #tpu.memory_space<vmem>>, %arg1: memref<11x128xf32, #tpu.memory_space<vmem>>, %arg2: memref<1x128xf32, #tpu.memory_space<vmem>>, %arg3: memref<1x128xf32, #tpu.memory_space<vmem>>, %arg4: memref<128x128xi32, #tpu.memory_space<vmem>>, %arg5: memref<128x128xi32, #tpu.memory_space<vmem>>, %arg6: memref<10x128x128xi32, #tpu.memory_space<vmem>>, %arg7: memref<11x179x128xf32, #tpu.memory_space<vmem>>, %arg8: memref<11x128x128xi32, #tpu.memory_space<vmem>>) attributes {dimension_semantics = [], scalar_prefetch = 0 : i64, scratch_operands = 0 : i64, tpu.core_type = #tpu.core_type<tc>} {
    %get3A = arith.constant 0 : index
    %get3A_0 = arith.constant 0 : index
    %get3A_1 = vector.load %arg0[%get3A, %get3A_0] : memref<179x128xf32, #tpu.memory_space<vmem>>, vector<179x128xf32>
    %iota3A = tpu.iota {dimensions = array<i32: 0>} : vector<179x128xi32>
    %eq3A = arith.constant 0 : i32
    %eq3A_2 = vector.broadcast %eq3A : i32 to vector<179x128xi32>
    %eq3A_3 = arith.cmpi eq, %iota3A, %eq3A_2 : vector<179x128xi32>
    %jit3A = arith.constant 0.000000e+00 : f32
    %broadcast_in_dim3A = vector.broadcast %jit3A : f32 to vector<179x128xf32>
    %select_n3A = arith.select %eq3A_3, %broadcast_in_dim3A, %get3A_1 : vector<179x128xi1>, vector<179x128xf32>
    %broadcast_in_dim3A_4 = vector.shape_cast %select_n3A : vector<179x128xf32> to vector<1x179x128xf32>
    %get3A_5 = arith.constant 0 : index
    %get3A_6 = arith.constant 0 : index
    %get3A_7 = vector.load %arg1[%get3A_5, %get3A_6] : memref<11x128xf32, #tpu.memory_space<vmem>>, vector<11x128xf32>
    %broadcast_in_dim3A_8 = vector.shape_cast %get3A_7 : vector<11x128xf32> to vector<11x1x128xf32>
    %add3A = vector.broadcast %broadcast_in_dim3A_4 : vector<1x179x128xf32> to vector<11x179x128xf32>
    %add3A_9 = vector.broadcast %broadcast_in_dim3A_8 : vector<11x1x128xf32> to vector<11x179x128xf32>
    %add3A_10 = arith.addf %add3A, %add3A_9 : vector<11x179x128xf32>
    %reduce_sum3A = arith.constant dense<0.000000e+00> : vector<11x179xf32>
    %reduce_sum3A_11 = vector.multi_reduction <add>, %add3A_10, %reduce_sum3A [2] : vector<11x179x128xf32> to vector<11x179xf32>
    %broadcast_in_dim3A_12 = vector.shape_cast %reduce_sum3A_11 : vector<11x179xf32> to vector<11x179x1xf32>
    %div3A = arith.constant 1.280000e+02 : f32
    %div3A_13 = vector.broadcast %div3A : f32 to vector<11x179x1xf32>
    %div3A_14 = arith.divf %broadcast_in_dim3A_12, %div3A_13 : vector<11x179x1xf32>
    %sub3A = vector.broadcast %div3A_14 : vector<11x179x1xf32> to vector<11x179x128xf32>
    %sub3A_15 = arith.subf %add3A_10, %sub3A : vector<11x179x128xf32>
    %mul3A = arith.mulf %sub3A_15, %sub3A_15 : vector<11x179x128xf32>
    %reduce_sum3A_16 = arith.constant dense<0.000000e+00> : vector<11x179xf32>
    %reduce_sum3A_17 = vector.multi_reduction <add>, %mul3A, %reduce_sum3A_16 [2] : vector<11x179x128xf32> to vector<11x179xf32>
    %broadcast_in_dim3A_18 = vector.shape_cast %reduce_sum3A_17 : vector<11x179xf32> to vector<11x179x1xf32>
    %div3A_19 = arith.constant 1.280000e+02 : f32
    %div3A_20 = vector.broadcast %div3A_19 : f32 to vector<11x179x1xf32>
    %div3A_21 = arith.divf %broadcast_in_dim3A_18, %div3A_20 : vector<11x179x1xf32>
    %add3A_22 = arith.constant 9.99999974E-6 : f32
    %add3A_23 = vector.broadcast %add3A_22 : f32 to vector<11x179x1xf32>
    %add3A_24 = arith.addf %div3A_21, %add3A_23 : vector<11x179x1xf32>
    %rsqrt3A = math.rsqrt %add3A_24 : vector<11x179x1xf32>
    %mul3A_25 = vector.broadcast %rsqrt3A : vector<11x179x1xf32> to vector<11x179x128xf32>
    %mul3A_26 = arith.mulf %sub3A_15, %mul3A_25 : vector<11x179x128xf32>
    %get3A_27 = arith.constant 0 : index
    %get3A_28 = arith.constant 0 : index
    %get3A_29 = vector.load %arg2[%get3A_27, %get3A_28] : memref<1x128xf32, #tpu.memory_space<vmem>>, vector<1x128xf32>
    %broadcast_in_dim3A_30 = vector.shape_cast %get3A_29 : vector<1x128xf32> to vector<1x1x128xf32>
    %mul3A_31 = vector.broadcast %broadcast_in_dim3A_30 : vector<1x1x128xf32> to vector<11x179x128xf32>
    %mul3A_32 = arith.mulf %mul3A_26, %mul3A_31 : vector<11x179x128xf32>
    %get3A_33 = arith.constant 0 : index
    %get3A_34 = arith.constant 0 : index
    %get3A_35 = vector.load %arg3[%get3A_33, %get3A_34] : memref<1x128xf32, #tpu.memory_space<vmem>>, vector<1x128xf32>
    %broadcast_in_dim3A_36 = vector.shape_cast %get3A_35 : vector<1x128xf32> to vector<1x1x128xf32>
    %add3A_37 = vector.broadcast %broadcast_in_dim3A_36 : vector<1x1x128xf32> to vector<11x179x128xf32>
    %add3A_38 = arith.addf %mul3A_32, %add3A_37 : vector<11x179x128xf32>
    %swap3A = arith.constant 0 : index
    %swap3A_39 = arith.constant 0 : index
    %swap3A_40 = arith.constant 0 : index
    %swap3A_41 = vector.load %arg7[%swap3A, %swap3A_39, %swap3A_40] : memref<11x179x128xf32, #tpu.memory_space<vmem>>, vector<11x179x128xf32>
    tpu.vector_store %arg7[%swap3A, %swap3A_39, %swap3A_40], %add3A_38 {strides = array<i32>} : memref<11x179x128xf32, #tpu.memory_space<vmem>>, vector<11x179x128xf32>,
    %get3A_42 = arith.constant 0 : index
    %get3A_43 = arith.constant 0 : index
    %get3A_44 = vector.load %arg5[%get3A_42, %get3A_43] : memref<128x128xi32, #tpu.memory_space<vmem>>, vector<128x128xi32>
    %ne3A = arith.constant 0 : i32
    %ne3A_45 = vector.broadcast %ne3A : i32 to vector<128x128xi32>
    %ne3A_46 = arith.cmpi ne, %get3A_44, %ne3A_45 : vector<128x128xi32>
    %get3A_47 = arith.constant 0 : index
    %get3A_48 = arith.constant 0 : index
    %get3A_49 = vector.load %arg4[%get3A_47, %get3A_48] : memref<128x128xi32, #tpu.memory_space<vmem>>, vector<128x128xi32>
    %add3A_50 = arith.constant 150 : i32
    %add3A_51 = vector.broadcast %add3A_50 : i32 to vector<128x128xi32>
    %add3A_52 = arith.addi %get3A_49, %add3A_51 : vector<128x128xi32>
    %get3A_53 = arith.constant 0 : index
    %get3A_54 = arith.constant 0 : index
    %get3A_55 = arith.constant 0 : index
    %get3A_56 = vector.load %arg6[%get3A_53, %get3A_54, %get3A_55] : memref<10x128x128xi32, #tpu.memory_space<vmem>>, vector<10x128x128xi32>
    %slice3A = vector.extract_strided_slice %get3A_56 {offsets = [0, 0, 0], sizes = [1, 128, 128], strides = [1, 1, 1]} : vector<10x128x128xi32> to vector<1x128x128xi32>
    %squeeze3A = vector.shape_cast %slice3A : vector<1x128x128xi32> to vector<128x128xi32>
    %select_n3A_57 = arith.select %ne3A_46, %add3A_52, %squeeze3A : vector<128x128xi1>, vector<128x128xi32>
    %broadcast_in_dim3A_58 = vector.shape_cast %select_n3A_57 : vector<128x128xi32> to vector<1x128x128xi32>
    %broadcast_in_dim3A_59 = vector.shape_cast %ne3A_46 : vector<128x128xi1> to vector<1x128x128xi1>
    %slice3A_60 = vector.extract_strided_slice %get3A_56 {offsets = [0, 0, 0], sizes = [9, 128, 128], strides = [1, 1, 1]} : vector<10x128x128xi32> to vector<9x128x128xi32>
    %slice3A_61 = vector.extract_strided_slice %get3A_56 {offsets = [1, 0, 0], sizes = [9, 128, 128], strides = [1, 1, 1]} : vector<10x128x128xi32> to vector<9x128x128xi32>
    %broadcast_in_dim3A_62 = vector.shape_cast %broadcast_in_dim3A_59 : vector<1x128x128xi1> to vector<1x128x128xi1>
    %broadcast_in_dim3A_63 = vector.broadcast %broadcast_in_dim3A_62 : vector<1x128x128xi1> to vector<9x128x128xi1>
    %select_n3A_64 = arith.select %broadcast_in_dim3A_63, %slice3A_60, %slice3A_61 : vector<9x128x128xi1>, vector<9x128x128xi32>
    %slice3A_65 = vector.extract_strided_slice %get3A_56 {offsets = [9, 0, 0], sizes = [1, 128, 128], strides = [1, 1, 1]} : vector<10x128x128xi32> to vector<1x128x128xi32>
    %squeeze3A_66 = vector.shape_cast %slice3A_65 : vector<1x128x128xi32> to vector<128x128xi32>
    %jit3A_67 = arith.constant 0 : i32
    %broadcast_in_dim3A_68 = vector.broadcast %jit3A_67 : i32 to vector<128x128xi32>
    %select_n3A_69 = arith.select %ne3A_46, %squeeze3A_66, %broadcast_in_dim3A_68 : vector<128x128xi1>, vector<128x128xi32>
    %broadcast_in_dim3A_70 = vector.shape_cast %select_n3A_69 : vector<128x128xi32> to vector<1x128x128xi32>
    %concatenate3A = tpu.concatenate %broadcast_in_dim3A_58, %select_n3A_64, %broadcast_in_dim3A_70 in 0 : vector<1x128x128xi32>, vector<9x128x128xi32>, vector<1x128x128xi32> -> vector<11x128x128xi32>
    %iota3A_71 = tpu.iota {dimensions = array<i32: 0>} : vector<11x128x128xi32>
    %mul3A_72 = arith.constant 179 : i32
    %mul3A_73 = vector.broadcast %mul3A_72 : i32 to vector<11x128x128xi32>
    %mul3A_74 = arith.muli %iota3A_71, %mul3A_73 : vector<11x128x128xi32>
    %add3A_75 = arith.addi %concatenate3A, %mul3A_74 : vector<11x128x128xi32>
    %swap3A_76 = arith.constant 0 : index
    %swap3A_77 = arith.constant 0 : index
    %swap3A_78 = arith.constant 0 : index
    %swap3A_79 = vector.load %arg8[%swap3A_76, %swap3A_77, %swap3A_78] : memref<11x128x128xi32, #tpu.memory_space<vmem>>, vector<11x128x128xi32>
    tpu.vector_store %arg8[%swap3A_76, %swap3A_77, %swap3A_78], %add3A_75 {strides = array<i32>} : memref<11x128x128xi32, #tpu.memory_space<vmem>>, vector<11x128x128xi32>,
    return
  }
}

module attributes {stable_mosaic.version = 14 : i64} {
  func.func @_mask_body(%arg0: i32, %arg1: memref<1024x1xi32, #tpu.memory_space<vmem>>, %arg2: memref<1024x10xi32, #tpu.memory_space<vmem>>, %arg3: memref<1024x11xi32, #tpu.memory_space<vmem>>) attributes {dimension_semantics = [#tpu.dimension_semantics<arbitrary>], iteration_bounds = array<i64: 16>, scalar_prefetch = 0 : i64, scratch_operands = 0 : i64, tpu.core_type = #tpu.core_type<tc>, window_params = [{transform_indices = @transform_0, window_bounds = array<i64: 1024, 1>}, {transform_indices = @transform_1, window_bounds = array<i64: 1024, 10>}, {transform_indices = @transform_2, window_bounds = array<i64: 1024, 11>}]} {
    %get3A = arith.constant 0 : index
    %get3A_0 = arith.constant 0 : index
    %get3A_1 = vector.load %arg1[%get3A, %get3A_0] : memref<1024x1xi32, #tpu.memory_space<vmem>>, vector<1024x1xi32>
    %ne3A = arith.constant 0 : i32
    %ne3A_2 = vector.broadcast %ne3A : i32 to vector<1024x1xi32>
    %ne3A_3 = arith.cmpi ne, %get3A_1, %ne3A_2 : vector<1024x1xi32>
    %get3A_4 = arith.constant 0 : index
    %get3A_5 = arith.constant 0 : index
    %get3A_6 = vector.load %arg2[%get3A_4, %get3A_5] : memref<1024x10xi32, #tpu.memory_space<vmem>>, vector<1024x10xi32>
    %eq3A = arith.constant 0 : i32
    %eq3A_7 = vector.broadcast %eq3A : i32 to vector<1024x10xi32>
    %eq3A_8 = arith.cmpi eq, %get3A_6, %eq3A_7 : vector<1024x10xi32>
    %convert_element_type3A = arith.extui %eq3A_8 : vector<1024x10xi1> to vector<1024x10xi32>
    %slice3A = vector.extract_strided_slice %convert_element_type3A {offsets = [0, 0], sizes = [1024, 1], strides = [1, 1]} : vector<1024x10xi32> to vector<1024x1xi32>
    %or3A = arith.ori %get3A_1, %slice3A : vector<1024x1xi32>
    %slice3A_9 = vector.extract_strided_slice %convert_element_type3A {offsets = [0, 0], sizes = [1024, 9], strides = [1, 1]} : vector<1024x10xi32> to vector<1024x9xi32>
    %slice3A_10 = vector.extract_strided_slice %convert_element_type3A {offsets = [0, 1], sizes = [1024, 9], strides = [1, 1]} : vector<1024x10xi32> to vector<1024x9xi32>
    %broadcast_in_dim3A = vector.shape_cast %ne3A_3 : vector<1024x1xi1> to vector<1024x1xi1>
    %broadcast_in_dim3A_11 = vector.broadcast %broadcast_in_dim3A : vector<1024x1xi1> to vector<1024x9xi1>
    %select_n3A = arith.select %broadcast_in_dim3A_11, %slice3A_9, %slice3A_10 : vector<1024x9xi1>, vector<1024x9xi32>
    %slice3A_12 = vector.extract_strided_slice %convert_element_type3A {offsets = [0, 9], sizes = [1024, 1], strides = [1, 1]} : vector<1024x10xi32> to vector<1024x1xi32>
    %and3A = arith.andi %get3A_1, %slice3A_12 : vector<1024x1xi32>
    %concatenate3A = tpu.concatenate %select_n3A, %and3A in 1 : vector<1024x9xi32>, vector<1024x1xi32> -> vector<1024x10xi32>
    %reduce_max3A = arith.constant dense<-2147483648> : vector<1024xi32>
    %reduce_max3A_13 = vector.multi_reduction <maxsi>, %concatenate3A, %reduce_max3A [1] : vector<1024x10xi32> to vector<1024xi32>
    %broadcast_in_dim3A_14 = vector.shape_cast %reduce_max3A_13 : vector<1024xi32> to vector<1024x1xi32>
    %sub3A = arith.constant 1 : i32
    %sub3A_15 = vector.broadcast %sub3A : i32 to vector<1024x1xi32>
    %sub3A_16 = arith.subi %sub3A_15, %broadcast_in_dim3A_14 : vector<1024x1xi32>
    %or3A_17 = arith.ori %or3A, %sub3A_16 : vector<1024x1xi32>
    %concatenate3A_18 = tpu.concatenate %or3A_17, %select_n3A, %and3A in 1 : vector<1024x1xi32>, vector<1024x9xi32>, vector<1024x1xi32> -> vector<1024x11xi32>
    %swap3A = arith.constant 0 : index
    %swap3A_19 = arith.constant 0 : index
    %swap3A_20 = vector.load %arg3[%swap3A, %swap3A_19] : memref<1024x11xi32, #tpu.memory_space<vmem>>, vector<1024x11xi32>
    tpu.vector_store %arg3[%swap3A, %swap3A_19], %concatenate3A_18 {strides = array<i32>} : memref<1024x11xi32, #tpu.memory_space<vmem>>, vector<1024x11xi32>,
    return
  }
  func.func @transform_0(%arg0: i32) -> (i32, i32) {
    %c0_i32 = arith.constant 0 : i32
    %c0_i32_0 = arith.constant 0 : i32
    return %arg0, %c0_i32 : i32, i32
  }
  func.func @transform_1(%arg0: i32) -> (i32, i32) {
    %c0_i32 = arith.constant 0 : i32
    %c0_i32_0 = arith.constant 0 : i32
    return %arg0, %c0_i32 : i32, i32
  }
  func.func @transform_2(%arg0: i32) -> (i32, i32) {
    %c0_i32 = arith.constant 0 : i32
    %c0_i32_0 = arith.constant 0 : i32
    return %arg0, %c0_i32 : i32, i32
  }
}

</mosaic_0001>

<sc_bundles>
// kernel: kernel.5.cloned.1.call-start
scs
__scs_entry_jumppad:
0x0: {  	(pc) =	sbr.rel $0x88, $3  }
0x1: {  	(tag) =	ssettag $0x0;
	lr =	simm.s32 $0x1  }
0x2: {  	[smem:$0x3F99] =	sst lr;
	_ =	strace $0xD0000000  }
0x3: {  	_ = 	snop  }
0x4: {  	_ = 	snop  }
0x5: {  	_ = 	snop  }
0x6: {  	_ = 	snop  }
0x7: {  	_ = 	snop  }
__scs_overlays_trampoline_lowered:
0x8: {  	[smem:$0x3FA8] =	sst s0  }
0x9: {  	[smem:$0x3FA9] =	sst s1  }
0xa: {  	[smem:$0x3FAA] =	sst s2  }
0xb: {  	[smem:$0x3FAB] =	sst s3  }
0xc: {  	[smem:$0x3FAC] =	sst s4  }
0xd: {  	[smem:$0x3FAD] =	sst s5  }
0xe: {  	[smem:$0x3FAE] =	sst s6  }
0xf: {  	[smem:$0x3FAF] =	sst s7  }
0x10: {  	[smem:$0x3FB0] =	sst s8  }
0x11: {  	[smem:$0x3FB1] =	sst s9;
	s0 =	simm.s32 @!p0 $0x0  }
0x12: {  	s1 =	sld [smem:$0x3F97];
	s0 =	simm.s32 @p0 $0x1  }
0x13: {  	[smem:$0x3FB2] =	sst s0;
	s0 =	simm.s32 @!p1 $0x0  }
0x14: {  	s2 =	sld [smem:$0x3F96];
	s0 =	simm.s32 @p1 $0x1  }
0x15: {  	[smem:$0x3FB3] =	sst s0;
	s0 =	simm.s32 @!p2 $0x0  }
0x16: {  	s3 =	sld [smem:$0x3FDB];
	s0 =	simm.s32 @p2 $0x1  }
0x17: {  	s4 =	simm.s32 $0x1BF5;
	[smem:$0x3FB5] =	sst s0  }
0x18: {  	s0 =	sld [smem:$0x3F98];
	_ =	swait.ge [sflag:s4], $0x0  }
0x19: {  	s7 =	sld [smem:$0x3F99]  }
0x1a: {  	s8 =	sadd.s32 $0xFFFFE003, lr  }
0x1b: {  	s9 =	sadd.s32 $0xFFFFFEF7, lr;
	s5 =	simm.s32 $0xFFFFFFFF;
	p2 =	slt.u32 s8, $0xFFFFF086  }
0x1c: {  	p1 =	slt.u32 s9, $0xF7A;
	s5 =	simm.s32 @!p2 $0x0  }
0x1d: {  	s5 =	simm.s32 @p1 $0x1;
	p0 =	seq.s32 s7, s2  }
0x1e: {  	s7 =	smul.u32 @!p0 $0xF7A, s2;
	p2 =	seq.s32 @!p0 s5, $0x0  }
0x1f: {  	s9 =	smul.u32 $0xF7A, s1;
	s8 =	simm.s32 @!p0 $0x1BF5;
	p2 =	por !p2, p0  }
0x20: {  	[sflag:s8] =	ssyncset.s32 @!p0 $0xFFFFF086;
	s6 =	sadd.s32 @!p0 s3, s7;
	s7 =	simm.s32 @!p0 $0x108  }
0x21: {  	s3 =	sadd.s32 s3, s9;
	s6 =	sadd.s32 @!p0 $0x88, s6;
	s7 =	simm.s32 @p2 $0x1082  }
0x22: {  	[simem:s7], [sflag:s8] =	dma.local @!p0 [hbm:s6], $0xF7A  }
0x23: {  	s9 =	sor.u32 $0xD0000000, s2;
	s6 =	simm.s32 $0x108;
	_ =	swait.ge @!p0 [sflag:s8], $0x0  }
0x24: {  	s3 =	sadd.s32 $0x88, s3;
	s6 =	simm.s32 @!p1 $0x1082;
	[sflag:s4] =	ssyncset.s32 $0xFFFFF086  }
0x25: {  	[simem:s6], [sflag:s4] =	dma.local [hbm:s3], $0xF7A  }
0x26: {  	[smem:$0x3F99] =	sst s1;
	(tag) =	ssettag s2;
	_ =	strace s9  }
0x27: {  	s1 =	sld [smem:$0x3FA9]  }
0x28: {  	s2 =	sld [smem:$0x3FAA]  }
0x29: {  	s4 =	sld [smem:$0x3FAC]  }
0x2a: {  	p0 =	seq.s32 s5, $0x0;
	s5 =	sld [smem:$0x3FAD]  }
0x2b: {  	s6 =	sld [smem:$0x3FAE]  }
0x2c: {  	s7 =	sld [smem:$0x3FAF]  }
0x2d: {  	s3 =	simm.s32 $0x108;
	s8 =	sld [smem:$0x3FB0]  }
0x2e: {  	s3 =	simm.s32 @!p0 $0x1082;
	s9 =	sld [smem:$0x3FB1]  }
0x2f: {  	lr =	sadd.s32 s0, s3;
	s0 =	sld [smem:$0x3FA8]  }
0x30: {  	s3 =	sld [smem:$0x3FAB]  }
0x31: {  	[smem:$0x3FB4] =	sst s10  }
0x32: {  	s10 =	sld [smem:$0x3FB2];
	_ =	sdelay $0x3  }
0x33: {  	p0 =	seq.s32 s10, $0x1;
	s10 =	sld [smem:$0x3FB4];
	_ =	sdelay $0x3  }
0x34: {  	[smem:$0x3FB4] =	sst s10  }
0x35: {  	s10 =	sld [smem:$0x3FB3];
	_ =	sdelay $0x3  }
0x36: {  	p1 =	seq.s32 s10, $0x1;
	s10 =	sld [smem:$0x3FB4];
	_ =	sdelay $0x3  }
0x37: {  	[smem:$0x3FB4] =	sst s10  }
0x38: {  	s10 =	sld [smem:$0x3FB5]  }
0x39: {  	_ = 	snop;
	(pc) =	sbr.ind lr, $3  }
0x3a: {  	_ = 	snop  }
0x3b: {  	_ = 	snop  }
0x3c: {  	p2 =	seq.s32 s10, $0x1;
	s10 =	sld [smem:$0x3FB4]  }
0x3d: {  	_ =	shalt  }
0x3e: {  	_ =	shalt  }
0x3f: {  	_ =	shalt  }
0x40: {  	_ =	shalt  }
0x41: {  	_ =	shalt  }
0x42: {  	_ =	shalt  }
0x43: {  	_ =	shalt  }
0x44: {  	_ =	shalt  }
0x45: {  	_ =	shalt  }
0x46: {  	_ =	shalt  }
0x47: {  	_ =	shalt  }
0x48: {  	_ =	shalt  }
0x49: {  	_ =	shalt  }
0x4a: {  	_ =	shalt  }
0x4b: {  	_ =	shalt  }
0x4c: {  	_ =	shalt  }
0x4d: {  	_ =	shalt  }
0x4e: {  	_ =	shalt  }
0x4f: {  	_ =	shalt  }
0x50: {  	_ =	shalt  }
0x51: {  	_ =	shalt  }
0x52: {  	_ =	shalt  }
0x53: {  	_ =	shalt  }
0x54: {  	_ =	shalt  }
0x55: {  	_ =	shalt  }
0x56: {  	_ =	shalt  }
0x57: {  	_ =	shalt  }
0x58: {  	_ =	shalt  }
0x59: {  	_ =	shalt  }
0x5a: {  	_ =	shalt  }
0x5b: {  	_ =	shalt  }
0x5c: {  	_ =	shalt  }
0x5d: {  	_ =	shalt  }
0x5e: {  	_ =	shalt  }
0x5f: {  	_ =	shalt  }
0x60: {  	_ =	shalt  }
0x61: {  	_ =	shalt  }
0x62: {  	_ =	shalt  }
0x63: {  	_ =	shalt  }
0x64: {  	_ =	shalt  }
0x65: {  	_ =	shalt  }
0x66: {  	_ =	shalt  }
0x67: {  	_ =	shalt  }
0x68: {  	_ =	shalt  }
0x69: {  	_ =	shalt  }
0x6a: {  	_ =	shalt  }
0x6b: {  	_ =	shalt  }
0x6c: {  	_ =	shalt  }
0x6d: {  	_ =	shalt  }
0x6e: {  	_ =	shalt  }
0x6f: {  	_ =	shalt  }
0x70: {  	_ =	shalt  }
0x71: {  	_ =	shalt  }
0x72: {  	_ =	shalt  }
0x73: {  	_ =	shalt  }
0x74: {  	_ =	shalt  }
0x75: {  	_ =	shalt  }
0x76: {  	_ =	shalt  }
0x77: {  	_ =	shalt  }
0x78: {  	_ =	shalt  }
0x79: {  	_ =	shalt  }
0x7a: {  	_ =	shalt  }
0x7b: {  	_ =	shalt  }
0x7c: {  	_ =	shalt  }
0x7d: {  	_ =	shalt  }
0x7e: {  	_ =	shalt  }
0x7f: {  	_ =	shalt  }
0x80: {  	_ =	shalt  }
0x81: {  	_ =	shalt  }
0x82: {  	_ =	shalt  }
0x83: {  	_ =	shalt  }
0x84: {  	_ =	shalt  }
0x85: {  	_ =	shalt  }
0x86: {  	_ =	shalt  }
0x87: {  	_ =	shalt  }
.Lfunc_end0:
.L_simem_size_0:
called_computation.1_lowered:
.L_overlay_start_0:
0x88: {  	s2 =	sld [smem:$0x3FD9]  }
0x89: {  	s3 =	sld [smem:$0x3FFE];
	_ =	sdelay $0x1  }
0x8a: {  	s1 =	srdreg.scid  }
0x8b: {  	s0 =	sand.u32 $0x1, s1  }
0x8c: {  	s14 =	sshll.u32 s0, $0xA;
	s2 =	sadd.s32 s3, s2  }
0x8d: {  	s2 =	sadd.s32 s2, s14  }
0x8e: {  	[smem:$0x3FC0] =	sst s2  }
0x8f: {  	_ = 	snop  }
0x90: {  	s2 =	sld [smem:$0x3FD0];
	_ =	sdelay $0x2  }
0x91: {  	s15 =	simm.s32 $0xA;
	s4 =	simm.s32 $0x10  }
0x92: {  	[smem:s4], [sflag:s15] =	dma.local [hbm:s2], $0x1  }
0x93: {  	_ =	swait.eq [sflag:s15], $0x1  }
0x94: {  	[sflag:s15] =	ssyncset.done $0x0  }
0x95: {  	[sflag:s15] =	ssyncadd.s32 $0xFFFFFFFF  }
0x96: {  	s16 =	sld [smem:$0x10];
	(tm) =	ssettm $0x1  }
0x97: {  	s17 =	sld [smem:$0x3FFB];
	_ =	sdelay $0x3  }
0x98: {  	_ =	strace s17  }
0x99: {  	s3 =	sld [smem:$0x3FFC];
	_ =	sdelay $0x3  }
0x9a: {  	_ =	strace s3  }
0x9b: {  	s3 =	sld [smem:$0x3FFD];
	_ =	sdelay $0x3  }
0x9c: {  	_ =	strace s3  }
0x9d: {  	_ =	strace $0x8FFFFFFF  }
0x9e: {  	s18 =	sld [smem:$0x3FDB];
	_ =	sdelay $0x1  }
0x9f: {  	s19 =	simm.s32 $_scs_section_size  }
0xa0: {  	s5 =	simm.s32 $_size__tile_overlayer_lowered;
	s6 =	simm.s32 $_tile_overlayer_lowered  }
0xa1: {  	s22 =	simm.s32 $0x1BFF;
	s21 =	sshll.u32 s6, $0x1;
	s3 =	sadd.s32 s19, s18  }
0xa2: {  	s7 =	simm.s32 $0x0;
	s20 =	sshll.u32 s5, $0x1;
	s5 =	sadd.s32 s21, s3  }
0xa3: {  	[timem:s7], [sflag:s22] =	dma.local [hbm:s5], s20  }
0xa4: {  	_ =	swait.ge [sflag:s22], s20  }
0xa5: {  	s4 =	ssub.s32 $0x0, s20;
	[sflag:s22] =	ssyncset.done $0x0  }
0xa6: {  	[sflag:s22] =	ssyncadd.s32 s4;
	_ =	sdelay $0x1  }
0xa7: {  	s23 =	simm.s32 $0x1B8B  }
0xa8: {  	_ =	swait.ge [sflag:s23], $0x1  }
0xa9: {  	[sflag:s23] =	ssyncset.done $0x0  }
0xaa: {  	s25 =	simm.s32 $0x1B8E;
	s24 =	sld [smem:$0x3FFE];
	[sflag:s23] =	ssyncadd.s32 $0xFFFFFFFF  }
0xab: {  	s26 =	simm.s32 $execute0_lowered;
	[smem:$0x3FD2] =	sst s25  }
0xac: {  	s5 =	sshll.u32 s26, $0x1;
	_ =	strace $0x80000046;
	[dreg:$0x1] =	wrdreg $0xFFFFFFFF  }
0xad: {  	s28 =	simm.s32 $_size_execute0_lowered;
	s3 =	sadd.s32 s3, s5;
	[dreg:$0x0] =	wrdreg $0x0  }
0xae: {  	s5 =	sshll.u32 s28, $0x1;
	[dreg:$0x2] =	wrdreg s3  }
0xaf: {  	[dreg:$0x3] =	wrdreg s5  }
0xb0: {  	[dreg:$0x4] =	wrdreg $0xC0  }
0xb1: {  	_ =	task [dreg:s7], $0x5FFFF  }
0xb2: {  	[dreg:$0x1] =	wrdreg $0xFFFFFFFF  }
0xb3: {  	[dreg:$0x0] =	wrdreg $0x60  }
0xb4: {  	[dreg:$0x2] =	wrdreg s24  }
0xb5: {  	[dreg:$0x3] =	wrdreg s16  }
0xb6: {  	[dreg:$0x4] =	wrdreg $0x9  }
0xb7: {  	_ =	task.clear_ibuf [dreg:s7], $0x5FFFF;
	_ =	strace $0x90000046  }
0xb8: {  	s29 =	simm.s32 $0x9;
	_ =	strace $0x80000048  }
0xb9: {  	_ =	swait.ge [sflag:s29], $0x1  }
0xba: {  	[sflag:s29] =	ssyncadd.s32 $0xFFFFFFFF  }
0xbb: {  	_ =	strace $0x90000048  }
0xbc: {  	_ =	sfence  }
0xbd: {  	s30 =	sld [smem:$0x0];
	_ =	sdelay $0x2  }
0xbe: {  	s31 =	sshll.u32 s1, $0xD;
	s1 =	sshrl.u32 s1, $0x2  }
0xbf: {  	s3 =	sand.u32 $0x4000, s31;
	s1 =	sadd.s32 s1, s30  }
0xc0: {  	s0 =	sor.u32 s3, s0;
	s1 =	sshll.u32 s1, $0x11  }
0xc1: {  	s0 =	sor.u32 s1, s0  }
0xc2: {  	s0 =	sadd.s32 $0x8F2B, s0  }
0xc3: {  	[sflag:s0] =	ssyncadd.remote.s32 $0x1  }
0xc4: {  	_ =	sfence.sel $0xFFFF  }
0xc5: {  	[dreg:$0x0] =	wrdreg $0xFFFFFFFF;
	(pc) =	sbr.abs _section_cstart, $3  }
0xc6: {  	[dreg:$0x1] =	wrdreg $0xFFFFFFFF  }
0xc7: {  	_ =	task.clear_ibuf [dreg:s7], $0x2FFFF;
	_ =	strace $0x9FFFFFFF  }
0xc8: {  	(tm) =	ssettm $0x7FFFFFFF  }
0xc9: {  	_ =	shalt  }
tec
execute0_lowered:
.L_overlay_start_1:
0x0: {  	(tag) =	ssettag $0x1  }
0x1: {  	s1 =	srdreg.scid;
	s6 =	rddreg [dreg:$0x0]  }
0x2: {  	s0 =	stileid.u32;
	s2 =	rddreg [dreg:$0x1]  }
0x3: {  	s3 =	simm.s32 $0x0;
	s15 =	simm.s32 $0x7200;
	s16 =	simm.s32 $0x1  }
0x4: {  	s17 =	simm.s32 $0x2;
	s18 =	simm.s32 $0x3;
	s10 =	smul.u32 $0x58, s0  }
0x5: {  	s19 =	simm.s32 $0x4;
	s5 =	sand.u32 $0x1, s1;
	s14 =	smul.u32 $0xB000, s0  }
0x6: {  	s20 =	simm.s32 $0x0;
	s23 =	sshll.u32 s0, $0x1;
	s12 =	smul.u32 $0x2C, s5  }
0x7: {  	[smem:$0x7FF] =	sst s3;
	s4 =	sor.u32 s5, s23;
	s26 =	smul.u32 $0x5800, s5  }
0x8: {  	s1 =	rddreg [dreg:$0x2];
	_ =	strace $0x80000047;
	s7 =	smul.u32 $0x2C, s4  }
0x9: {  	s25 =	ssub.s32 $0x2, s5;
	s8 =	smul.u32 $0x2C0, s4;
	s4 =	sadd.s32 $0x7400, s6  }
0xa: {  	s13 =	sshrl.u32 s25, $0x1;
	s10 =	sadd.s32 s12, s10;
	s29 =	sadd.s32 s26, s14  }
0xb: {  	s12 =	simm.s32 $0x1600;
	s14 =	simm.s32 $0x3200;
	s24 =	sand.u32 $0x7F8, s7  }
0xc: {  	s8 =	sadd.s32 s8, s6;
	s10 =	sand.u32 $0xFF8, s10;
	s9 =	smin.u32 s24, $0x548  }
0xd: {  	s5 =	sadd.s32 $0x1C00, s8;
	s28 =	smin.u32 s10, $0x548;
	s11 =	sshll.u32 s9, $0x4  }
0xe: {  	s7 =	ssub.s32 s7, s9;
	s8 =	sshll.u32 s28, $0x9;
	s6 =	sadd.s32 s11, s6  }
0xf: {  	s11 =	ssub.s32 s25, s13;
	s7 =	sshll.u32 s7, $0x9;
	s9 =	ssub.s32 s29, s8  }
0x10: {  	s13 =	simm.s32 $0x80;
	s6 =	sadd.s32 $0xF000, s6;
	s30 =	sshra.s32 s7, $0x2  }
0x11: {  	s7 =	smax.u32 s11, $0x1;
	s31 =	sshra.s32 s9, $0x2;
	s11 =	simm.s32 $0x5  }
0x12: {  	s8 =	sadd.s32 $0x2B00, s30;
	s9 =	sadd.s32 $0x2B80, s30;
	s10 =	sadd.s32 $0x1600, s31  }
.LBB2_1:
0x13: {  	[tilespmem:s3], [sflag:$0x5] =	stream.linear.gather [hbm4b:s5+s3], $0x1600, $0x38;
	[tilespmem:$0xB200] =	vst v63  }
0x14: {  	_ =	swait.ge [sflag:s11], $0x1600  }
0x15: {  	[sflag:s11] =	ssyncset.done $0x0  }
0x16: {  	[sflag:s11] =	ssyncadd.s32 $0xFFFFEA00  }
0x17: {  	[tilespmem:s12], [sflag:$0x5] =	stream.linear.gather [hbm4b:s6+s3], $0x1C00, $0x38;
	[tilespmem:$0xB200] =	vst v63  }
0x18: {  	_ =	swait.ge [sflag:s11], $0x1C00  }
0x19: {  	[sflag:s11] =	ssyncset.done $0x0  }
0x1a: {  	[sflag:s11] =	ssyncadd.s32 $0xFFFFE400  }
0x1b: {  	[tilespmem:s14], [sflag:$0x1] =	stream.indirect.gather [hbm4b:s4+s13], $0x80, s3, s13, $0xb8;
	[tilespmem:$0xB200] =	vst v63  }
0x1c: {  	_ = 	snop  }
0x1d: {  	[tilespmem:s15], [sflag:$0x2] =	stream.indirect.gather [hbm4b:s4+s13], $0x80, s13, s13, $0xb8;
	[tilespmem:$0xB200] =	vst v63  }
0x1e: {  	_ =	swait.ge [sflag:s16], $0x4000  }
0x1f: {  	[sflag:s16] =	ssyncset.done $0x0  }
0x20: {  	s21 =	sadd.s32 $0x0, s10;
	[sflag:s16] =	ssyncadd.s32 $0xFFFFC000  }
0x21: {  	[hbm4b:s2+s13] =	stream.indirect.scatter [tilespmem:s14], [sflag:$0x3], $0x80, s21, s13, $0xb8;
	[tilespmem:$0xB200] =	vst v63  }
0x22: {  	_ =	swait.ge [sflag:s17], $0x4000  }
0x23: {  	[sflag:s17] =	ssyncset.done $0x0  }
0x24: {  	s21 =	sadd.s32 $0x80, s21;
	[sflag:s17] =	ssyncadd.s32 $0xFFFFC000  }
0x25: {  	[hbm4b:s2+s13] =	stream.indirect.scatter [tilespmem:s15], [sflag:$0x4], $0x80, s21, s13, $0xb8;
	[tilespmem:$0xB200] =	vst v63  }
0x26: {  	_ =	swait.ge [sflag:s18], $0x4000  }
0x27: {  	[sflag:s18] =	ssyncset.done $0x0  }
0x28: {  	s31 =	simm.s32 $0x100;
	[sflag:s18] =	ssyncadd.s32 $0xFFFFC000  }
0x29: {  	[tilespmem:s14], [sflag:$0x1] =	stream.indirect.gather [hbm4b:s4+s13], $0x80, s31, s13, $0xb8;
	[tilespmem:$0xB200] =	vst v63  }
0x2a: {  	_ =	swait.ge [sflag:s19], $0x4000  }
0x2b: {  	[sflag:s19] =	ssyncset.done $0x0  }
0x2c: {  	s22 =	simm.s32 $0x180;
	s21 =	simm.s32 $0x400;
	[sflag:s19] =	ssyncadd.s32 $0xFFFFC000  }
.LBB2_2:
0x2d: {  	[tilespmem:s15], [sflag:$0x2] =	stream.indirect.gather [hbm4b:s4+s13], $0x80, s22, s13, $0xb8;
	[tilespmem:$0xB200] =	vst v63  }
0x2e: {  	s22 =	smov.u32 s21  }
0x2f: {  	p0 =	sne.s32 s21, $0x5000;
	s21 =	sadd.s32 $0x400, s21;
	_ =	swait.ge [sflag:s16], $0x4000  }
0x30: {  	s22 =	sshra.s32 s22, $0x2;
	[sflag:s16] =	ssyncset.done $0x0  }
0x31: {  	s23 =	sadd.s32 s22, s10;
	[sflag:s16] =	ssyncadd.s32 $0xFFFFC000  }
0x32: {  	[hbm4b:s2+s13] =	stream.indirect.scatter [tilespmem:s14], [sflag:$0x3], $0x80, s23, s13, $0xb8;
	[tilespmem:$0xB200] =	vst v63  }
0x33: {  	_ =	swait.ge [sflag:s17], $0x4000  }
0x34: {  	[sflag:s17] =	ssyncset.done $0x0  }
0x35: {  	s23 =	sadd.s32 $0x80, s23;
	[sflag:s17] =	ssyncadd.s32 $0xFFFFC000  }
0x36: {  	[hbm4b:s2+s13] =	stream.indirect.scatter [tilespmem:s15], [sflag:$0x4], $0x80, s23, s13, $0xb8;
	[tilespmem:$0xB200] =	vst v63  }
0x37: {  	_ =	swait.ge [sflag:s18], $0x4000  }
0x38: {  	[sflag:s18] =	ssyncset.done $0x0  }
.Ltmp0:
0x39: {  	s23 =	sadd.s32 $0x100, s22;
	[sflag:s18] =	ssyncadd.s32 $0xFFFFC000;
	(pc) =	sbr.rel @p0 .LBB2_2-.Ltmp0, $4  }
0x3a: {  	[tilespmem:s14], [sflag:$0x1] =	stream.indirect.gather [hbm4b:s4+s13], $0x80, s23, s13, $0xb8;
	[tilespmem:$0xB200] =	vst v63  }
0x3b: {  	_ =	swait.ge [sflag:s19], $0x4000  }
0x3c: {  	[sflag:s19] =	ssyncset.done $0x0  }
0x3d: {  	s22 =	sadd.s32 $0x180, s22;
	[sflag:s19] =	ssyncadd.s32 $0xFFFFC000  }
0x3e: {  	[tilespmem:s15], [sflag:$0x2] =	stream.indirect.gather [hbm4b:s4+s13], $0x80, s22, s13, $0xb8;
	[tilespmem:$0xB200] =	vst v63  }
0x3f: {  	_ =	swait.ge [sflag:s16], $0x4000  }
0x40: {  	[sflag:s16] =	ssyncset.done $0x0  }
0x41: {  	[sflag:s16] =	ssyncadd.s32 $0xFFFFC000  }
0x42: {  	[hbm4b:s2+s13] =	stream.indirect.scatter [tilespmem:s14], [sflag:$0x3], $0x80, s8, s13, $0xb8;
	[tilespmem:$0xB200] =	vst v63  }
0x43: {  	_ =	swait.ge [sflag:s17], $0x4000  }
0x44: {  	[sflag:s17] =	ssyncset.done $0x0  }
0x45: {  	s20 =	sadd.s32 $0x1, s20;
	[sflag:s17] =	ssyncadd.s32 $0xFFFFC000  }
0x46: {  	[hbm4b:s2+s13] =	stream.indirect.scatter [tilespmem:s15], [sflag:$0x4], $0x80, s9, s13, $0xb8;
	[tilespmem:$0xB200] =	vst v63  }
0x47: {  	p0 =	sne.s32 s20, s7;
	_ =	swait.ge [sflag:s18], $0x4000  }
.Ltmp1:
0x48: {  	[sflag:s18] =	ssyncset.done $0x0;
	(pc) =	sbr.rel @p0 .LBB2_1-.Ltmp1, $4  }
0x49: {  	[sflag:s18] =	ssyncadd.s32 $0xFFFFC000  }
0x4a: {  	_ =	swait.ge [sflag:s19], $0x4000  }
0x4b: {  	[sflag:s19] =	ssyncset.done $0x0  }
0x4c: {  	[sflag:s19] =	ssyncadd.s32 $0xFFFFC000  }
0x4d: {  	_ =	sfence.sel $0x180000  }
0x4e: {  	[bflag:$0x0] =	sbarrier.arrive $0xFFFF  }
0x4f: {  	p0 =	sne.s32 s0, $0x0;
	_ =	strace $0x90000047  }
0x50: {  	s0 =	sadd.s32 @!p0 $0x100000, s1;
	[bflag:$0x2] =	sbarrier.arrive $0xFFFF  }
0x51: {  	[sflag:s0] =	ssyncadd.tile.s32 @!p0 $0x1;
	_ =	shalt  }
.Lfunc_end2:
_tile_overlayer_lowered:
.L_overlay_start_2:
0x52: {  	(tag) =	ssettag $0x2  }
0x53: {  	s0 =	rddreg [dreg:$0x0];
	s2 =	stileid.u32  }
0x54: {  	s1 =	rddreg [dreg:$0x1];
	p0 =	sne.s32 s2, $0x0  }
0x55: {  	s3 =	rddreg [dreg:$0x2];
	[bflag:$0x3] =	sbarrier.arrive $0xFFFF;
	s2 =	simm.s32 @!p0 $0x1C05  }
0x56: {  	[timem:s3], [sflag:s2] =	dma.local @!p0 [hbm:s0], s1  }
0x57: {  	s0 =	simm.s32 @!p0 $0x5  }
0x58: {  	_ =	swait.ge @!p0 [sflag:s0], s1  }
0x59: {  	s1 =	ssub.s32 @!p0 $0x0, s1;
	[sflag:s0] =	ssyncset.done @!p0 $0x0  }
0x5a: {  	[sflag:s0] =	ssyncadd.s32 @!p0 s1  }
0x5b: {  	[bflag:$0x3] =	sbarrier.arrive $0xFFFF  }
0x5c: {  	_ =	shalt  }

// kernel: sparse-core-data-format-call.cloned.1.call-start
scs
called_computation_lowered:
.L_overlay_start_0:
0x0: {  	s2 =	sld [smem:$0x3FD9]  }
0x1: {  	s3 =	sld [smem:$0x3FFE];
	_ =	sdelay $0x1  }
0x2: {  	s1 =	srdreg.scid  }
0x3: {  	s0 =	sand.u32 $0x1, s1  }
0x4: {  	s15 =	sshll.u32 s0, $0xA;
	s2 =	sadd.s32 s3, s2  }
0x5: {  	s2 =	sadd.s32 s2, s15  }
0x6: {  	[smem:$0x3FC0] =	sst s2  }
0x7: {  	_ = 	snop  }
0x8: {  	s2 =	sld [smem:$0x3FD0];
	_ =	sdelay $0x2  }
0x9: {  	s16 =	simm.s32 $0xA;
	s4 =	simm.s32 $0x10  }
0xa: {  	[smem:s4], [sflag:s16] =	dma.local [hbm:s2], $0x1  }
0xb: {  	_ =	swait.eq [sflag:s16], $0x1  }
0xc: {  	[sflag:s16] =	ssyncset.done $0x0  }
0xd: {  	[sflag:s16] =	ssyncadd.s32 $0xFFFFFFFF  }
0xe: {  	s17 =	sld [smem:$0x10];
	(tm) =	ssettm $0x1  }
0xf: {  	s18 =	sld [smem:$0x3FFB];
	_ =	sdelay $0x3  }
0x10: {  	_ =	strace s18  }
0x11: {  	s3 =	sld [smem:$0x3FFC];
	_ =	sdelay $0x3  }
0x12: {  	_ =	strace s3  }
0x13: {  	s3 =	sld [smem:$0x3FFD];
	_ =	sdelay $0x3  }
0x14: {  	_ =	strace s3  }
0x15: {  	_ =	strace $0x8FFFFFFF  }
0x16: {  	s19 =	sld [smem:$0x3FDB];
	_ =	sdelay $0x1  }
0x17: {  	s20 =	simm.s32 $_scs_section_size  }
0x18: {  	s5 =	simm.s32 $_size__tile_overlayer_lowered;
	s6 =	simm.s32 $_tile_overlayer_lowered  }
0x19: {  	s23 =	simm.s32 $0x1BFF;
	s22 =	sshll.u32 s6, $0x1;
	s3 =	sadd.s32 s20, s19  }
0x1a: {  	s7 =	simm.s32 $0x0;
	s21 =	sshll.u32 s5, $0x1;
	s5 =	sadd.s32 s22, s3  }
0x1b: {  	[timem:s7], [sflag:s23] =	dma.local [hbm:s5], s21  }
0x1c: {  	_ =	swait.ge [sflag:s23], s21  }
0x1d: {  	s4 =	ssub.s32 $0x0, s21;
	[sflag:s23] =	ssyncset.done $0x0  }
0x1e: {  	[sflag:s23] =	ssyncadd.s32 s4;
	_ =	sdelay $0x1  }
0x1f: {  	s24 =	simm.s32 $0x1B8B  }
0x20: {  	_ =	swait.ge [sflag:s24], $0x1  }
0x21: {  	[sflag:s24] =	ssyncset.done $0x0  }
0x22: {  	s26 =	simm.s32 $0x1B8E;
	s25 =	sld [smem:$0x3FFE];
	[sflag:s24] =	ssyncadd.s32 $0xFFFFFFFF  }
0x23: {  	s27 =	simm.s32 $execute0_lowered;
	[smem:$0x3FD2] =	sst s26  }
0x24: {  	s5 =	sshll.u32 s27, $0x1;
	_ =	strace $0x80000049;
	[dreg:$0x1] =	wrdreg $0xFFFFFFFF  }
0x25: {  	s28 =	simm.s32 $_size_execute0_lowered;
	s3 =	sadd.s32 s3, s5;
	[dreg:$0x0] =	wrdreg $0x0  }
0x26: {  	s5 =	sshll.u32 s28, $0x1;
	[dreg:$0x2] =	wrdreg s3  }
0x27: {  	[dreg:$0x3] =	wrdreg s5  }
0x28: {  	[dreg:$0x4] =	wrdreg $0xC0  }
0x29: {  	_ =	task [dreg:s7], $0x5FFFF  }
0x2a: {  	[dreg:$0x1] =	wrdreg $0xFFFFFFFF  }
0x2b: {  	[dreg:$0x0] =	wrdreg $0x60  }
0x2c: {  	[dreg:$0x2] =	wrdreg s25  }
0x2d: {  	[dreg:$0x3] =	wrdreg s17  }
0x2e: {  	[dreg:$0x4] =	wrdreg $0x9  }
0x2f: {  	_ =	task.clear_ibuf [dreg:s7], $0x5FFFF;
	_ =	strace $0x90000049  }
0x30: {  	s29 =	simm.s32 $0x9;
	_ =	strace $0x8000004B  }
0x31: {  	_ =	swait.ge [sflag:s29], $0x1  }
0x32: {  	[sflag:s29] =	ssyncadd.s32 $0xFFFFFFFF  }
0x33: {  	_ =	strace $0x9000004B  }
0x34: {  	_ =	sfence  }
0x35: {  	s30 =	sld [smem:$0x0];
	_ =	sdelay $0x2  }
0x36: {  	s31 =	sshll.u32 s1, $0xD;
	s1 =	sshrl.u32 s1, $0x2  }
0x37: {  	s3 =	sand.u32 $0x4000, s31;
	s1 =	sadd.s32 s1, s30  }
0x38: {  	s0 =	sor.u32 s3, s0;
	s1 =	sshll.u32 s1, $0x11  }
0x39: {  	s0 =	sor.u32 s1, s0  }
0x3a: {  	s0 =	sadd.s32 $0x8F2B, s0  }
0x3b: {  	[sflag:s0] =	ssyncadd.remote.s32 $0x1  }
0x3c: {  	_ =	sfence.sel $0xFFFF  }
0x3d: {  	[dreg:$0x0] =	wrdreg $0xFFFFFFFF;
	(pc) =	sbr.abs _section_cstart, $3  }
0x3e: {  	[dreg:$0x1] =	wrdreg $0xFFFFFFFF  }
0x3f: {  	_ =	task.clear_ibuf [dreg:s7], $0x2FFFF;
	_ =	strace $0x9FFFFFFF  }
0x40: {  	(tm) =	ssettm $0x7FFFFFFF  }
0x41: {  	_ =	shalt  }
tec
execute0_lowered:
.L_overlay_start_1:
0x0: {  	(tag) =	ssettag $0x1  }
0x1: {  	s0 =	srdreg.scid  }
0x2: {  	s1 =	sshll.u32 s0, $0x4  }
0x3: {  	s0 =	stileid.u32;
	s1 =	sand.u32 $0x10, s1  }
0x4: {  	s1 =	sor.u32 s0, s1  }
0x5: {  	s6 =	rddreg [dreg:$0x0];
	s4 =	simm.s32 $0x1;
	s2 =	sshll.u32 s1, $0x7  }
0x6: {  	s7 =	simm.s32 $0x2;
	s8 =	simm.s32 $0x0;
	s1 =	ssub.s32 $0x4000, s2  }
0x7: {  	s9 =	simm.s32 $0x0;
	s13 =	simm.s32 $0x0;
	s3 =	sand.u32 $0xF80, s1  }
0x8: {  	s14 =	simm.s32 $0x0;
	s5 =	sshrl.u32 s1, $0xC;
	p0 =	sne.s32 s3, $0x0  }
.Ltmp0:
0x9: {  	s1 =	rddreg [dreg:$0x2];
	s4 =	simm.s32 @!p0 $0x0;
	(pc) =	sbr.rel .LBB1_1-.Ltmp0, $4  }
0xa: {  	s10 =	simm.s32 $0x0;
	s3 =	rddreg [dreg:$0x1];
	s5 =	sadd.s32 s4, s5  }
0xb: {  	_ =	strace $0x8000004A;
	s4 =	simm.s32 $0x1;
	s5 =	smul.u32 $0xB, s5  }
0xc: {  	s12 =	simm.s32 $0x0;
	s6 =	sadd.s32 $0x1C00, s6;
	[sflag:s4] =	ssyncpa.u1 $0x0  }
0xd: {  	s11 =	smov.u32 s2;
	[sflag:s7] =	ssyncpa.u1 $0x0;
	s7 =	sadd.s32 $0x1, s5  }
.LBB1_4:
0xe: {  	_ =	sdelay $0x3  }
0xf: {  	[tilespmem:v0+s16+$0xFFFFFFD0 ss:$0x1] =	vst.idx.msk $0xffff, v6  }
0x10: {  	v56 =	vld.idx.msk [tilespmem:v1+s17+$0x0 ss:$0x1], $0xffff;
	[tilespmem:v0+s16+$0xFFFFFFE0 ss:$0x1] =	vst.idx.msk $0xffff, v4  }
0x11: {  	v57 =	vld.idx.msk [tilespmem:v1+s17+$0xFFFFFF90 ss:$0x1], $0xffff;
	[tilespmem:v0+s16+$0xFFFFFFF0 ss:$0x1] =	vst.idx.msk $0xffff, v2  }
0x12: {  	v58 =	vld.idx.msk [tilespmem:v1+s17+$0xFFFFFFA0 ss:$0x1], $0xffff;
	[tilespmem:v0+s16+$0x0 ss:$0x1] =	vst.idx.msk $0xffff, v3  }
0x13: {  	v59 =	vld.idx.msk [tilespmem:v1+s17+$0xFFFFFFB0 ss:$0x1], $0xffff;
	[tilespmem:v0+s16+$0x10 ss:$0x1] =	vst.idx.msk $0xffff, v5  }
0x14: {  	v60 =	vld.idx.msk [tilespmem:v1+s17+$0xFFFFFFC0 ss:$0x1], $0xffff;
	[tilespmem:v0+s16+$0x20 ss:$0x1] =	vst.idx.msk $0xffff, v7  }
0x15: {  	v61 =	vld.idx.msk [tilespmem:v1+s17+$0xFFFFFFD0 ss:$0x1], $0xffff;
	[tilespmem:v0+s17+$0x30 ss:$0x1] =	vst.idx.msk $0xffff, v56  }
0x16: {  	v62 =	vld.idx.msk [tilespmem:v1+s17+$0xFFFFFFE0 ss:$0x1], $0xffff;
	[tilespmem:v0+s17+$0xFFFFFFC0 ss:$0x1] =	vst.idx.msk $0xffff, v57  }
0x17: {  	v63 =	vld.idx.msk [tilespmem:v1+s17+$0xFFFFFFF0 ss:$0x1], $0xffff;
	[tilespmem:v0+s17+$0xFFFFFFD0 ss:$0x1] =	vst.idx.msk $0xffff, v58  }
0x18: {  	[tilespmem:v0+s17+$0xFFFFFFE0 ss:$0x1] =	vst.idx.msk $0xffff, v59  }
0x19: {  	s14 =	sshll.u32 s14, $0x4;
	[tilespmem:v0+s17+$0xFFFFFFF0 ss:$0x1] =	vst.idx.msk $0xffff, v60  }
0x1a: {  	s14 =	sand.u32 $0x3FFF0, s14;
	[tilespmem:v0+s17+$0x0 ss:$0x1] =	vst.idx.msk $0xffff, v61  }
0x1b: {  	s13 =	sshll.u32 s13, $0x12;
	s14 =	sadd.s32 s3, s14;
	[tilespmem:v0+s17+$0x10 ss:$0x1] =	vst.idx.msk $0xffff, v62  }
0x1c: {  	s13 =	sadd.s32 s13, s14;
	[tilespmem:v0+s17+$0x20 ss:$0x1] =	vst.idx.msk $0xffff, v63  }
0x1d: {  	[hbm4b:s13+s8] =	stream.linear.scatter [tilespmem:s15], [sflag:$0x2], $0x4000, $0x38;
	[tilespmem:$0x10000] =	vst v63  }
.LBB1_5:
0x1e: {  	s15 =	sadd.s32 $0x1, s10  }
0x1f: {  	s13 =	sadd.s32 $0x1000, s11;
	s17 =	smov.u32 s11;
	p1 =	sgt.s32 s15, $0xA  }
0x20: {  	s17 =	smov.u32 @p1 s13  }
0x21: {  	s15 =	simm.s32 @p1 $0x0;
	p1 =	sgt.s32 s17, $0x3FFF  }
0x22: {  	s17 =	smov.u32 @p1 s2;
	p1 =	sne.s32 s12, s7  }
.Ltmp1:
0x23: {  	p0 =	slt.u32 s12, $0x2;
	(pc) =	sbr.rel @!p1 .LBB1_6-.Ltmp1, $4  }
0x24: {  	s16 =	simm.s32 @!p0 $0x2  }
0x25: {  	s14 =	smov.u32 s11;
	s9 =	sadd.s32 $0x4000, s9;
	_ =	swait.ge @!p0 [sflag:s16], $0x4000  }
0x26: {  	s13 =	smov.u32 s10;
	[sflag:s16] =	ssyncset.done @!p0 $0x0;
	s10 =	smov.u32 s15  }
0x27: {  	s12 =	sadd.s32 $0x1, s12;
	[sflag:s16] =	ssyncadd.s32 @!p0 $0xFFFFC000;
	s11 =	smov.u32 s17  }
.LBB1_1:
0x28: {  	p0 =	sge.u32 s12, s5  }
0x29: {  	s31 =	sadd.s32 $0xFFFFFFFF, s12;
	s15 =	sxor.u32 @!p0 $0xFFFFFFFF, s12  }
0x2a: {  	s16 =	sshll.u32 @!p0 s11, $0x8;
	s17 =	sshll.u32 @!p0 s10, $0x4;
	s18 =	simm.s32 @!p0 $0x800  }
0x2b: {  	s15 =	sshll.u32 @!p0 s15, $0xE;
	s17 =	sand.u32 @!p0 $0xF0, s17;
	s16 =	sadd.s32 @!p0 s6, s16  }
0x2c: {  	s15 =	sand.u32 @!p0 $0x4000, s15;
	s16 =	sadd.s32 @!p0 s17, s16;
	s17 =	simm.s32 @!p0 $0x80  }
0x2d: {  	[tilespmem:s15], [sflag:$0x1] =	stream.strided.gather @!p0 [hbm4b:s16+s17], $0x4000, s18, s17, $0x38;
	[tilespmem:$0x10000] =	vst v63  }
0x2e: {  	p0 =	sge.u32 s31, s5  }
.Ltmp2:
0x2f: {  	_ = 	snop;
	(pc) =	sbr.rel @p0 .LBB1_5-.Ltmp2, $1  }
0x30: {  	_ =	sdelay $0x3  }
0x31: {  	s15 =	sand.u32 $0x4000, s9  }
0x32: {  	s16 =	sor.u32 $0x70, s15  }
0x33: {  	v1 =	vmov s16;
	_ =	sdelay $0x1  }
0x34: {  	_ =	swait.ge [sflag:s4], $0x4000  }
0x35: {  	[sflag:s4] =	ssyncset.done $0x0  }
0x36: {  	[sflag:s4] =	ssyncadd.s32 $0xFFFFC000;
	s16 =	simm.s32 $0x0  }
0x37: {  	s15 =	sor.u32 $0x8040, s15;
	v7 =	vld.idx.msk [tilespmem:v1+s16+$0x0 ss:$0x1], $0xffff  }
0x38: {  	v0 =	vmov s15;
	v8 =	vld.idx.msk [tilespmem:v1+s16+$0xFFFFFF90 ss:$0x1], $0xffff  }
0x39: {  	v6 =	vld.idx.msk [tilespmem:v1+s16+$0xFFFFFFA0 ss:$0x1], $0xffff  }
0x3a: {  	v4 =	vld.idx.msk [tilespmem:v1+s16+$0xFFFFFFB0 ss:$0x1], $0xffff  }
0x3b: {  	v2 =	vld.idx.msk [tilespmem:v1+s16+$0xFFFFFFC0 ss:$0x1], $0xffff  }
0x3c: {  	s31 =	sshll.u32 s12, $0xE;
	v3 =	vld.idx.msk [tilespmem:v1+s16+$0xFFFFFFD0 ss:$0x1], $0xffff  }
0x3d: {  	s15 =	sand.u32 $0x4000, s31;
	v5 =	vld.idx.msk [tilespmem:v1+s16+$0xFFFFFFE0 ss:$0x1], $0xffff;
	[tilespmem:v0+s16+$0x30 ss:$0x1] =	vst.idx.msk $0xffff, v7  }
0x3e: {  	s17 =	simm.s32 $0x80;
	s18 =	simm.s32 $0x400;
	s15 =	sor.u32 $0x8000, s15;
	[tilespmem:v0+s16+$0xFFFFFFC0 ss:$0x1] =	vst.idx.msk $0xffff, v8;
	v7 =	vld.idx.msk [tilespmem:v1+s16+$0xFFFFFFF0 ss:$0x1], $0xffff  }
.LBB1_3:
0x3f: {  	p0 =	sne.s32 s18, $0xFE00;
	v8 =	vld.idx.msk [tilespmem:v1+s17+$0x0 ss:$0x1], $0xffff;
	[tilespmem:v0+s16+$0xFFFFFFD0 ss:$0x1] =	vst.idx.msk $0xffff, v6  }
0x40: {  	v9 =	vld.idx.msk [tilespmem:v1+s17+$0xFFFFFF90 ss:$0x1], $0xffff;
	[tilespmem:v0+s16+$0xFFFFFFE0 ss:$0x1] =	vst.idx.msk $0xffff, v4  }
0x41: {  	v6 =	vld.idx.msk [tilespmem:v1+s17+$0xFFFFFFA0 ss:$0x1], $0xffff;
	[tilespmem:v0+s16+$0xFFFFFFF0 ss:$0x1] =	vst.idx.msk $0xffff, v2  }
.Ltmp3:
0x42: {  	v4 =	vld.idx.msk [tilespmem:v1+s17+$0xFFFFFFB0 ss:$0x1], $0xffff;
	[tilespmem:v0+s16+$0x0 ss:$0x1] =	vst.idx.msk $0xffff, v3;
	(pc) =	sbr.rel @p0 .LBB1_3-.Ltmp3, $4  }
0x43: {  	v2 =	vld.idx.msk [tilespmem:v1+s17+$0xFFFFFFC0 ss:$0x1], $0xffff;
	[tilespmem:v0+s16+$0x10 ss:$0x1] =	vst.idx.msk $0xffff, v5  }
0x44: {  	v3 =	vld.idx.msk [tilespmem:v1+s17+$0xFFFFFFD0 ss:$0x1], $0xffff;
	[tilespmem:v0+s16+$0x20 ss:$0x1] =	vst.idx.msk $0xffff, v7;
	s16 =	smov.u32 s17  }
0x45: {  	v5 =	vld.idx.msk [tilespmem:v1+s16+$0xFFFFFFE0 ss:$0x1], $0xffff;
	[tilespmem:v0+s16+$0x30 ss:$0x1] =	vst.idx.msk $0xffff, v8  }
0x46: {  	s17 =	sshra.s32 s18, $0x2;
	s18 =	sadd.s32 $0x200, s18;
	[tilespmem:v0+s16+$0xFFFFFFC0 ss:$0x1] =	vst.idx.msk $0xffff, v9;
	v7 =	vld.idx.msk [tilespmem:v1+s16+$0xFFFFFFF0 ss:$0x1], $0xffff  }
.Ltmp4:
0x47: {  	_ = 	snop;
	(pc) =	sbr.rel .LBB1_4-.Ltmp4, $1  }
0x48: {  	_ =	sdelay $0x3  }
.LBB1_6:
0x49: {  	_ =	sfence.sel $0x180000  }
0x4a: {  	s2 =	simm.s32 $0x1;
	[bflag:$0x0] =	sbarrier.arrive $0xFFFF  }
0x4b: {  	s31 =	simm.s32 $0x2;
	[sflag:s2] =	ssyncpa.u1 $0x1  }
0x4c: {  	[sflag:s31] =	ssyncpa.u1 $0x1  }
0x4d: {  	p0 =	sne.s32 s0, $0x0;
	_ =	strace $0x9000004A  }
0x4e: {  	s0 =	sadd.s32 @!p0 $0x100000, s1;
	[bflag:$0x2] =	sbarrier.arrive $0xFFFF  }
0x4f: {  	[sflag:s0] =	ssyncadd.tile.s32 @!p0 $0x1;
	_ =	shalt  }
.Lfunc_end1:
_tile_overlayer_lowered:
.L_overlay_start_2:
0x50: {  	(tag) =	ssettag $0x2  }
0x51: {  	s0 =	rddreg [dreg:$0x0];
	s2 =	stileid.u32  }
0x52: {  	s1 =	rddreg [dreg:$0x1];
	p0 =	sne.s32 s2, $0x0  }
0x53: {  	s3 =	rddreg [dreg:$0x2];
	[bflag:$0x3] =	sbarrier.arrive $0xFFFF;
	s2 =	simm.s32 @!p0 $0x1C01  }
0x54: {  	[timem:s3], [sflag:s2] =	dma.local @!p0 [hbm:s0], s1  }
0x55: {  	s0 =	simm.s32 @!p0 $0x1  }
0x56: {  	_ =	swait.ge @!p0 [sflag:s0], s1  }
0x57: {  	s1 =	ssub.s32 @!p0 $0x0, s1;
	[sflag:s0] =	ssyncset.done @!p0 $0x0  }
0x58: {  	[sflag:s0] =	ssyncadd.s32 @!p0 s1  }
0x59: {  	[bflag:$0x3] =	sbarrier.arrive $0xFFFF  }
0x5a: {  	_ =	shalt  }

</sc_bundles>
